<compile_context>
chip_gen: v7x
topology: tpu7x:2x2x1
jax: 0.10.2.dev20260603
libtpu: 0.0.44.dev20260713+nightly
codegen_flags: <defaults>
</compile_context>

<pallas_src>
import functools

import jax
import jax.numpy as jnp
from jax import lax
from jax.experimental import pallas as pl
from jax.experimental.pallas import tpu as pltpu
from jax.experimental.pallas import tpu_sc as plsc

N = 10000
E = 320000
T = 5
D = 128
H = 128
O = 128

NC = 2
NS = 16
NW = NC * NS
NP = 10240
ROWS_PER_TILE = NP // NS
CHUNK = 120
PCHUNKS = 2688
SLAB = PCHUNKS // NW
NBUF = 3
IR = 2 * NBUF
EPAD = PCHUNKS * CHUNK - E

@functools.cache
def _mesh():
    return plsc.VectorSubcoreMesh(core_axis_name="c", subcore_axis_name="s",
                                  num_cores=NC, num_subcores=NS)


def _deg_body(eidx_hbm, zeros_hbm, deg_out, eidx_v, ones_v, deg_sh, ssem):
    c = lax.axis_index("c")
    s = lax.axis_index("s")
    wid = s * NC + c
    c0 = wid * SLAB
    pltpu.sync_copy(zeros_hbm, deg_sh.at[pl.ds(s * ROWS_PER_TILE, ROWS_PER_TILE)])
    pltpu.sync_copy(eidx_hbm.at[pl.ds(c0, SLAB)], eidx_v)
    for i in range(128 // 16):
        ones_v[pl.ds(i * 16, 16)] = jnp.full((16,), 1.0, jnp.float32)
    plsc.subcore_barrier()

    def fire(j, carry):
        pltpu.async_copy(ones_v.at[pl.ds(0, CHUNK)],
                         deg_sh.at[eidx_v.at[j, 1]], ssem, add=True)
        return carry

    lax.fori_loop(0, SLAB, fire, 0)

    def drain(j, carry):
        pltpu.make_async_copy(ones_v.at[pl.ds(0, CHUNK)],
                              deg_sh.at[eidx_v.at[0, 1]], ssem).wait()
        return carry

    lax.fori_loop(0, SLAB, drain, 0)

    plsc.subcore_barrier()
    pltpu.sync_copy(deg_sh.at[pl.ds(s * ROWS_PER_TILE, ROWS_PER_TILE)],
                    deg_out.at[c, pl.ds(s * ROWS_PER_TILE, ROWS_PER_TILE)])


@functools.cache
def _deg_call():
    return pl.kernel(
        _deg_body,
        out_type=jax.ShapeDtypeStruct((NC, NP), jnp.float32),
        mesh=_mesh(),
        scratch_types=[
            pltpu.VMEM((SLAB, 2, CHUNK), jnp.int32),
            pltpu.VMEM((128,), jnp.float32),
            pltpu.VMEM_SHARED((NP,), jnp.float32),
            pltpu.SemaphoreType.DMA,
        ],
    )


def _agg_body(eidx_hbm, y_hbm, zeros_hbm, agg_out,
              eidx_v, rows_v, agg_sh, *sems):
    gsem = sems[:NBUF]
    isem = sems[NBUF:]
    c = lax.axis_index("c")
    s = lax.axis_index("s")
    wid = s * NC + c
    c0 = wid * SLAB
    pltpu.sync_copy(zeros_hbm, agg_sh.at[pl.ds(s * ROWS_PER_TILE, ROWS_PER_TILE)])

    def idx_load(j, q):
        pltpu.async_copy(eidx_hbm.at[c0 + j], eidx_v.at[q], isem[q])

    def idx_wait(j, q):
        pltpu.make_async_copy(eidx_hbm.at[c0 + j], eidx_v.at[q], isem[q]).wait()

    def gather(j, b, q):
        pltpu.async_copy(y_hbm.at[eidx_v.at[q, 0]], rows_v.at[b], gsem[b])

    def gather_wait(j, b, q):
        pltpu.make_async_copy(y_hbm.at[eidx_v.at[q, 0]], rows_v.at[b], gsem[b]).wait()

    def scatter(j, b, q):
        pltpu.sync_copy(rows_v.at[b], agg_sh.at[eidx_v.at[q, 1]], add=True)

    plsc.subcore_barrier()
    for q in range(IR):
        idx_load(q, q)
    for b in range(NBUF):
        idx_wait(b, b)
        gather(b, b, b)

    def body(i, carry):
        for u in range(IR // NBUF):
            for b in range(NBUF):
                q = u * NBUF + b
                j = i * IR + q
                gather_wait(j, b, q)
                scatter(j, b, q)

                @pl.when(j + IR < SLAB)
                def _(j=j, q=q):
                    idx_load(j + IR, q)

                @pl.when(j + NBUF < SLAB)
                def _(j=j, b=b, q=q):
                    qn = (q + NBUF) % IR
                    idx_wait(j + NBUF, qn)
                    gather(j + NBUF, b, qn)
        return carry

    lax.fori_loop(0, SLAB // IR, body, 0)

    plsc.subcore_barrier()
    pltpu.sync_copy(agg_sh.at[pl.ds(s * ROWS_PER_TILE, ROWS_PER_TILE)],
                    agg_out.at[c, pl.ds(s * ROWS_PER_TILE, ROWS_PER_TILE)])


@functools.cache
def _agg_call():
    return pl.kernel(
        _agg_body,
        out_type=jax.ShapeDtypeStruct((NC, NP, H), jnp.float32),
        mesh=_mesh(),
        scratch_types=[
            pltpu.VMEM((IR, 2, CHUNK), jnp.int32),
            pltpu.VMEM((NBUF, CHUNK, H), jnp.float32),
            pltpu.VMEM_SHARED((NP, H), jnp.float32),
        ] + [pltpu.SemaphoreType.DMA] * (NBUF + IR),
    )


BN = 2000


def _lstm_body(x_ref, wih_ref, whh_ref, bih_ref, bhh_ref, h_out):
    b = bih_ref[...] + bhh_ref[...]
    h = jnp.zeros((BN, H), jnp.float32)
    c = jnp.zeros((BN, H), jnp.float32)
    for t in range(T):
        xt = x_ref[:, t * D:(t + 1) * D].astype(jnp.bfloat16)
        gates = (jnp.dot(xt, wih_ref[...], preferred_element_type=jnp.float32)
                 + jnp.dot(h.astype(jnp.bfloat16), whh_ref[...],
                           preferred_element_type=jnp.float32)
                 + b)
        i = jax.nn.sigmoid(gates[:, 0:H])
        f = jax.nn.sigmoid(gates[:, H:2 * H])
        g = jnp.tanh(gates[:, 2 * H:3 * H])
        o = jax.nn.sigmoid(gates[:, 3 * H:4 * H])
        c = f * c + i * g
        h = o * jnp.tanh(c)
    h_out[...] = h


def _lstm_call(x, wihT, whhT, bih, bhh):
    return pl.pallas_call(
        _lstm_body,
        grid=(N // BN,),
        in_specs=[
            pl.BlockSpec((BN, T * D), lambda i: (i, 0)),
            pl.BlockSpec((D, 4 * H), lambda i: (0, 0)),
            pl.BlockSpec((H, 4 * H), lambda i: (0, 0)),
            pl.BlockSpec((1, 4 * H), lambda i: (0, 0)),
            pl.BlockSpec((1, 4 * H), lambda i: (0, 0)),
        ],
        out_specs=pl.BlockSpec((BN, H), lambda i: (i, 0)),
        out_shape=jax.ShapeDtypeStruct((N, H), jnp.float32),
    )(x, wihT, whhT, bih, bhh)


def _y_body(h_ref, wg_ref, degp_ref, y_out):
    deg = degp_ref[:, 0] + degp_ref[:, 1] + 1.0
    dinv = lax.rsqrt(deg)
    xw = jnp.dot(h_ref[...], wg_ref[...], preferred_element_type=jnp.float32)
    y_out[...] = xw * dinv[:, None]


def _y_call(h, wgT, degpT):
    return pl.pallas_call(
        _y_body,
        grid=(N // BN,),
        in_specs=[
            pl.BlockSpec((BN, H), lambda i: (i, 0)),
            pl.BlockSpec((H, H), lambda i: (0, 0)),
            pl.BlockSpec((BN, NC), lambda i: (i, 0)),
        ],
        out_specs=pl.BlockSpec((BN, H), lambda i: (i, 0)),
        out_shape=jax.ShapeDtypeStruct((N, H), jnp.float32),
    )(h, wgT, degpT)


def _fin_body(p_ref, y_ref, degp_ref, bg_ref, wf_ref, bf_ref, out_ref):
    deg = degp_ref[:, 0] + degp_ref[:, 1] + 1.0
    dinv = lax.rsqrt(deg)
    aggr = p_ref[0] + p_ref[1] + y_ref[...]
    agg = aggr * dinv[:, None] + bg_ref[...]
    r = jnp.maximum(agg, 0.0)
    out_ref[...] = jnp.dot(r, wf_ref[...], preferred_element_type=jnp.float32) + bf_ref[...]


def _fin_call(p, y, degpT, bg, wfT, bf):
    return pl.pallas_call(
        _fin_body,
        grid=(N // BN,),
        in_specs=[
            pl.BlockSpec((NC, BN, H), lambda i: (0, i, 0)),
            pl.BlockSpec((BN, H), lambda i: (i, 0)),
            pl.BlockSpec((BN, NC), lambda i: (i, 0)),
            pl.BlockSpec((1, H), lambda i: (0, 0)),
            pl.BlockSpec((H, O), lambda i: (0, 0)),
            pl.BlockSpec((1, O), lambda i: (0, 0)),
        ],
        out_specs=pl.BlockSpec((BN, O), lambda i: (i, 0)),
        out_shape=jax.ShapeDtypeStruct((N, O), jnp.float32),
    )(p, y, degpT, bg, wfT, bf)


def kernel(x, edge_index, W_ih, W_hh, b_ih, b_hh, W_gcn, b_gcn, W_fc, b_fc):
    it = jnp.arange(EPAD, dtype=jnp.int32)
    pad = jnp.stack([it % N, N + (it % (NP - N))])
    eidx = (jnp.concatenate([edge_index, pad], axis=1)
            .reshape(2, PCHUNKS, CHUNK).transpose(1, 0, 2))
    zrow = jnp.zeros((ROWS_PER_TILE,), jnp.float32)
    zblk = jnp.zeros((ROWS_PER_TILE, H), jnp.float32)

    degp = _deg_call()(eidx, zrow)
    degpT = degp.T
    h = _lstm_call(x.reshape(N, T * D), W_ih.T.astype(jnp.bfloat16),
                   W_hh.T.astype(jnp.bfloat16), b_ih[None, :], b_hh[None, :])
    y = _y_call(h, W_gcn.T, degpT)
    aggp = _agg_call()(eidx, y, zblk)
    out = _fin_call(aggp, y, degpT, b_gcn[None, :], W_fc.T, b_fc[None, :])
    return out

# --- scband reference (transcript-rebuilt; emitter-appended) ---
"""Pipeline reference for scband-temporal-gnnmodel-83717502533825 (READ-ONLY COPY).

The authoritative reference and input builder live on the scoring server;
editing this copy changes nothing except your own understanding.
"""

import jax, jax.numpy as jnp
import numpy as np

N = 10000
E = 320000
T = 5
D = 128
H = 128
O = 128

def setup_inputs(seed: int = 0):
    key = jax.random.key(seed)
    ks = jax.random.split(key, 8)
    x = jax.random.normal(ks[0], (N, T, D), dtype=jnp.float32)
    edge_index = jax.random.randint(ks[1], (2, E), 0, N, dtype=jnp.int32)
    def init(k, shape, fan):
        return (jax.random.normal(k, shape, dtype=jnp.float32) / np.sqrt(fan)).astype(jnp.float32)
    W_ih = init(ks[2], (4 * H, D), D)
    W_hh = init(ks[3], (4 * H, H), H)
    b_ih = jnp.zeros((4 * H,), jnp.float32)
    b_hh = jnp.zeros((4 * H,), jnp.float32)
    W_gcn = init(ks[4], (H, H), H)
    b_gcn = jnp.zeros((H,), jnp.float32)
    W_fc = init(ks[5], (O, H), H)
    b_fc = jnp.zeros((O,), jnp.float32)
    return {"x": x, "edge_index": edge_index, "W_ih": W_ih, "W_hh": W_hh, "b_ih": b_ih, "b_hh": b_hh, "W_gcn": W_gcn, "b_gcn": b_gcn, "W_fc": W_fc, "b_fc": b_fc}

def _lstm_last(x, W_ih, W_hh, b_ih, b_hh):
    n = x.shape[0]
    h0 = jnp.zeros((n, H), jnp.float32)
    c0 = jnp.zeros((n, H), jnp.float32)
    def step(carry, xt):
        h, c = carry
        gates = xt @ W_ih.T + h @ W_hh.T + b_ih + b_hh
        i, f, g, o = jnp.split(gates, 4, axis=-1)
        i = jax.nn.sigmoid(i)
        f = jax.nn.sigmoid(f)
        g = jnp.tanh(g)
        o = jax.nn.sigmoid(o)
        c = f * c + i * g
        h = o * jnp.tanh(c)
        return (h, c), None
    (h, c), _ = jax.lax.scan(step, (h0, c0), jnp.swapaxes(x, 0, 1))
    return h

def _gcn(h, edge_index, W_gcn, b_gcn):
    n = h.shape[0]
    loops = jnp.arange(n, dtype=edge_index.dtype)
    src = jnp.concatenate([edge_index[0], loops])
    dst = jnp.concatenate([edge_index[1], loops])
    deg = jnp.zeros((n,), jnp.float32).at[dst].add(1.0)
    dinv = jnp.where(deg > 0, jax.lax.rsqrt(deg), 0.0)
    norm = dinv[src] * dinv[dst]
    xw = h @ W_gcn.T
    msg = xw[src] * norm[:, None]
    agg = jnp.zeros((n, xw.shape[1]), jnp.float32).at[dst].add(msg)
    return agg + b_gcn

def reference(x, edge_index, W_ih, W_hh, b_ih, b_hh, W_gcn, b_gcn, W_fc, b_fc):
    h = _lstm_last(x, W_ih, W_hh, b_ih, b_hh)
    h = jax.nn.relu(_gcn(h, edge_index, W_gcn, b_gcn))
    return h @ W_fc.T + b_fc

if __name__ == "__main__":
    import jax
    _d = setup_inputs()
    print(jax.jit(kernel)(*tuple(_d.values())))

</pallas_src>

<mosaic_0001>
#map = affine_map<(d0, d1) -> (0, 0, 0)>
#map1 = affine_map<(d0, d1) -> (0)>
#map2 = affine_map<(d0, d1) -> (0, 0)>
module attributes {stable_mosaic.version = 14 : i64} {
  func.func @_deg_body(%arg0: i32, %arg1: i32, %arg2: memref<2688x2x120xi32, #tpu.memory_space<hbm>>, %arg3: memref<640xf32, #tpu.memory_space<hbm>>, %arg4: memref<2x10240xf32, #tpu.memory_space<hbm>>, %arg5: memref<84x2x120xi32, #tpu.memory_space<vmem>>, %arg6: memref<128xf32, #tpu.memory_space<vmem>>, %arg7: memref<10240xf32, #tpu.memory_space<vmem_shared>>, %arg8: memref<!tpu.dma_semaphore, #tpu.memory_space<semaphore_mem>>) attributes {dimension_semantics = [#tpu.dimension_semantics<core_parallel>, #tpu.dimension_semantics<subcore_parallel>], iteration_bounds = array<i64: 2, 16>, scalar_prefetch = 0 : i64, scratch_operands = 4 : i64, tpu.core_type = #tpu.core_type<sc_vector_subcore>, window_params = [{transform_indices = #map}, {transform_indices = #map1}, {transform_indices = #map2}]} {
    %mul3A = arith.constant 2 : i32
    %mul3A_0 = arith.muli %arg1, %mul3A : i32
    %add3A = arith.addi %mul3A_0, %arg0 : i32
    %mul3A_1 = arith.constant 84 : i32
    %mul3A_2 = arith.muli %add3A, %mul3A_1 : i32
    %mul3A_3 = arith.constant 640 : i32
    %mul3A_4 = arith.muli %arg1, %mul3A_3 : i32
    "tpu.region"() ({
      %run_scoped3A = tpu.sem_alloc : memref<!tpu.dma_semaphore, #tpu.memory_space<semaphore_mem>>
      %dma_start3A = tpu.memref_slice %arg7[%mul3A_4] : memref<10240xf32, #tpu.memory_space<vmem_shared>> -> memref<640xf32, #tpu.memory_space<vmem_shared>>
      tpu.enqueue_dma source(%arg3 : memref<640xf32, #tpu.memory_space<hbm>>) target(%dma_start3A : memref<640xf32, #tpu.memory_space<vmem_shared>>) target_semaphore(%run_scoped3A : memref<!tpu.dma_semaphore, #tpu.memory_space<semaphore_mem>>)
      %dma_wait3A = tpu.memref_slice %arg7[%mul3A_4] : memref<10240xf32, #tpu.memory_space<vmem_shared>> -> memref<640xf32, #tpu.memory_space<vmem_shared>>
      tpu.wait_dma2 semaphore(%run_scoped3A : memref<!tpu.dma_semaphore, #tpu.memory_space<semaphore_mem>>) src(%arg3 : memref<640xf32, #tpu.memory_space<hbm>>) dst(%dma_wait3A : memref<640xf32, #tpu.memory_space<vmem_shared>>)
      tpu.yield
    }) : () -> ()
    "tpu.region"() ({
      %run_scoped3A = tpu.sem_alloc : memref<!tpu.dma_semaphore, #tpu.memory_space<semaphore_mem>>
      %dma_start3A = arith.constant 0 : i32
      %dma_start3A_67 = arith.constant 0 : i32
      %dma_start3A_68 = tpu.memref_slice %arg2[%mul3A_2, %dma_start3A, %dma_start3A_67] : memref<2688x2x120xi32, #tpu.memory_space<hbm>> -> memref<84x2x120xi32, #tpu.memory_space<hbm>>
      %dma_start3A_69 = arith.constant 0 : i32
      %dma_start3A_70 = arith.constant 0 : i32
      %dma_start3A_71 = tpu.memref_slice %arg2[%mul3A_2, %dma_start3A_69, %dma_start3A_70] : memref<2688x2x120xi32, #tpu.memory_space<hbm>> -> memref<84x2x120xi32, #tpu.memory_space<hbm>>
      tpu.enqueue_dma source(%dma_start3A_71 : memref<84x2x120xi32, #tpu.memory_space<hbm>>) target(%arg5 : memref<84x2x120xi32, #tpu.memory_space<vmem>>) target_semaphore(%run_scoped3A : memref<!tpu.dma_semaphore, #tpu.memory_space<semaphore_mem>>)
      %dma_wait3A = arith.constant 0 : i32
      %dma_wait3A_72 = arith.constant 0 : i32
      %dma_wait3A_73 = tpu.memref_slice %arg2[%mul3A_2, %dma_wait3A, %dma_wait3A_72] : memref<2688x2x120xi32, #tpu.memory_space<hbm>> -> memref<84x2x120xi32, #tpu.memory_space<hbm>>
      %dma_wait3A_74 = arith.constant 0 : i32
      %dma_wait3A_75 = arith.constant 0 : i32
      %dma_wait3A_76 = tpu.memref_slice %arg2[%mul3A_2, %dma_wait3A_74, %dma_wait3A_75] : memref<2688x2x120xi32, #tpu.memory_space<hbm>> -> memref<84x2x120xi32, #tpu.memory_space<hbm>>
      tpu.wait_dma2 semaphore(%run_scoped3A : memref<!tpu.dma_semaphore, #tpu.memory_space<semaphore_mem>>) src(%dma_wait3A_76 : memref<84x2x120xi32, #tpu.memory_space<hbm>>) dst(%arg5 : memref<84x2x120xi32, #tpu.memory_space<vmem>>)
      tpu.yield
    }) : () -> ()
    %broadcast_in_dim3A = arith.constant 1.000000e+00 : f32
    %broadcast_in_dim3A_5 = vector.broadcast %broadcast_in_dim3A : f32 to vector<16xf32>
    %swap3A = arith.constant 0 : index
    %swap3A_6 = tpu.vector_load %arg6[%swap3A] {strides = array<i32>} : memref<128xf32, #tpu.memory_space<vmem>>, vector<16xf32>,
    %swap3A_7 = vector.shape_cast %swap3A_6 : vector<16xf32> to vector<16xf32>
    %swap3A_8 = vector.shape_cast %broadcast_in_dim3A_5 : vector<16xf32> to vector<16xf32>
    tpu.vector_store %arg6[%swap3A], %swap3A_8 {strides = array<i32>} : memref<128xf32, #tpu.memory_space<vmem>>, vector<16xf32>,
    %broadcast_in_dim3A_9 = arith.constant 1.000000e+00 : f32
    %broadcast_in_dim3A_10 = vector.broadcast %broadcast_in_dim3A_9 : f32 to vector<16xf32>
    %swap3A_11 = arith.constant 16 : index
    %swap3A_12 = tpu.vector_load %arg6[%swap3A_11] {strides = array<i32>} : memref<128xf32, #tpu.memory_space<vmem>>, vector<16xf32>,
    %swap3A_13 = vector.shape_cast %swap3A_12 : vector<16xf32> to vector<16xf32>
    %swap3A_14 = vector.shape_cast %broadcast_in_dim3A_10 : vector<16xf32> to vector<16xf32>
    tpu.vector_store %arg6[%swap3A_11], %swap3A_14 {strides = array<i32>} : memref<128xf32, #tpu.memory_space<vmem>>, vector<16xf32>,
    %broadcast_in_dim3A_15 = arith.constant 1.000000e+00 : f32
    %broadcast_in_dim3A_16 = vector.broadcast %broadcast_in_dim3A_15 : f32 to vector<16xf32>
    %swap3A_17 = arith.constant 32 : index
    %swap3A_18 = tpu.vector_load %arg6[%swap3A_17] {strides = array<i32>} : memref<128xf32, #tpu.memory_space<vmem>>, vector<16xf32>,
    %swap3A_19 = vector.shape_cast %swap3A_18 : vector<16xf32> to vector<16xf32>
    %swap3A_20 = vector.shape_cast %broadcast_in_dim3A_16 : vector<16xf32> to vector<16xf32>
    tpu.vector_store %arg6[%swap3A_17], %swap3A_20 {strides = array<i32>} : memref<128xf32, #tpu.memory_space<vmem>>, vector<16xf32>,
    %broadcast_in_dim3A_21 = arith.constant 1.000000e+00 : f32
    %broadcast_in_dim3A_22 = vector.broadcast %broadcast_in_dim3A_21 : f32 to vector<16xf32>
    %swap3A_23 = arith.constant 48 : index
    %swap3A_24 = tpu.vector_load %arg6[%swap3A_23] {strides = array<i32>} : memref<128xf32, #tpu.memory_space<vmem>>, vector<16xf32>,
    %swap3A_25 = vector.shape_cast %swap3A_24 : vector<16xf32> to vector<16xf32>
    %swap3A_26 = vector.shape_cast %broadcast_in_dim3A_22 : vector<16xf32> to vector<16xf32>
    tpu.vector_store %arg6[%swap3A_23], %swap3A_26 {strides = array<i32>} : memref<128xf32, #tpu.memory_space<vmem>>, vector<16xf32>,
    %broadcast_in_dim3A_27 = arith.constant 1.000000e+00 : f32
    %broadcast_in_dim3A_28 = vector.broadcast %broadcast_in_dim3A_27 : f32 to vector<16xf32>
    %swap3A_29 = arith.constant 64 : index
    %swap3A_30 = tpu.vector_load %arg6[%swap3A_29] {strides = array<i32>} : memref<128xf32, #tpu.memory_space<vmem>>, vector<16xf32>,
    %swap3A_31 = vector.shape_cast %swap3A_30 : vector<16xf32> to vector<16xf32>
    %swap3A_32 = vector.shape_cast %broadcast_in_dim3A_28 : vector<16xf32> to vector<16xf32>
    tpu.vector_store %arg6[%swap3A_29], %swap3A_32 {strides = array<i32>} : memref<128xf32, #tpu.memory_space<vmem>>, vector<16xf32>,
    %broadcast_in_dim3A_33 = arith.constant 1.000000e+00 : f32
    %broadcast_in_dim3A_34 = vector.broadcast %broadcast_in_dim3A_33 : f32 to vector<16xf32>
    %swap3A_35 = arith.constant 80 : index
    %swap3A_36 = tpu.vector_load %arg6[%swap3A_35] {strides = array<i32>} : memref<128xf32, #tpu.memory_space<vmem>>, vector<16xf32>,
    %swap3A_37 = vector.shape_cast %swap3A_36 : vector<16xf32> to vector<16xf32>
    %swap3A_38 = vector.shape_cast %broadcast_in_dim3A_34 : vector<16xf32> to vector<16xf32>
    tpu.vector_store %arg6[%swap3A_35], %swap3A_38 {strides = array<i32>} : memref<128xf32, #tpu.memory_space<vmem>>, vector<16xf32>,
    %broadcast_in_dim3A_39 = arith.constant 1.000000e+00 : f32
    %broadcast_in_dim3A_40 = vector.broadcast %broadcast_in_dim3A_39 : f32 to vector<16xf32>
    %swap3A_41 = arith.constant 96 : index
    %swap3A_42 = tpu.vector_load %arg6[%swap3A_41] {strides = array<i32>} : memref<128xf32, #tpu.memory_space<vmem>>, vector<16xf32>,
    %swap3A_43 = vector.shape_cast %swap3A_42 : vector<16xf32> to vector<16xf32>
    %swap3A_44 = vector.shape_cast %broadcast_in_dim3A_40 : vector<16xf32> to vector<16xf32>
    tpu.vector_store %arg6[%swap3A_41], %swap3A_44 {strides = array<i32>} : memref<128xf32, #tpu.memory_space<vmem>>, vector<16xf32>,
    %broadcast_in_dim3A_45 = arith.constant 1.000000e+00 : f32
    %broadcast_in_dim3A_46 = vector.broadcast %broadcast_in_dim3A_45 : f32 to vector<16xf32>
    %swap3A_47 = arith.constant 112 : index
    %swap3A_48 = tpu.vector_load %arg6[%swap3A_47] {strides = array<i32>} : memref<128xf32, #tpu.memory_space<vmem>>, vector<16xf32>,
    %swap3A_49 = vector.shape_cast %swap3A_48 : vector<16xf32> to vector<16xf32>
    %swap3A_50 = vector.shape_cast %broadcast_in_dim3A_46 : vector<16xf32> to vector<16xf32>
    tpu.vector_store %arg6[%swap3A_47], %swap3A_50 {strides = array<i32>} : memref<128xf32, #tpu.memory_space<vmem>>, vector<16xf32>,
    %barrier3A = arith.constant 0 : index
    tpu.barrier barrier_id(%barrier3A)
    %scan3A = arith.constant 0 : i32
    %scan3A_51 = arith.constant 0 : i32
    %scan3A_52 = arith.constant 84 : i32
    %scan3A_53 = arith.addi %scan3A_51, %scan3A_52 : i32
    %scan3A_54 = arith.constant 1 : i32
    scf.for %scan3A_67 = %scan3A_51 to %scan3A_53 step %scan3A_54  : i32 {
      %dma_start3A = arith.constant 1 : i32
      %dma_start3A_68 = arith.constant 0 : i32
      %dma_start3A_69 = tpu.memref_slice %arg6[%dma_start3A_68] : memref<128xf32, #tpu.memory_space<vmem>> -> memref<120xf32, #tpu.memory_space<vmem>>
      %dma_start3A_70 = arith.constant 0 : i32
      %dma_start3A_71 = tpu.memref_slice %arg5[%scan3A_67, %dma_start3A, %dma_start3A_70] : memref<84x2x120xi32, #tpu.memory_space<vmem>> -> memref<1x1x120xi32, #tpu.memory_space<vmem>>
      %dma_start3A_72 = tpu.memref_squeeze %dma_start3A_71 : memref<1x1x120xi32, #tpu.memory_space<vmem>> -> memref<120xi32, #tpu.memory_space<vmem>>
      %dma_start3A_73 = arith.constant 0 : i32
      %dma_start3A_74 = tpu.memref_slice %arg7[%dma_start3A_73] : memref<10240xf32, #tpu.memory_space<vmem_shared>> -> memref<10240xf32, #tpu.memory_space<vmem_shared>>
      tpu.enqueue_indirect_dma source(%dma_start3A_69 : memref<120xf32, #tpu.memory_space<vmem>>) target(%dma_start3A_74 : memref<10240xf32, #tpu.memory_space<vmem_shared>>) offsets(%dma_start3A_72 : memref<120xi32, #tpu.memory_space<vmem>>) semaphore(%arg8 : memref<!tpu.dma_semaphore, #tpu.memory_space<semaphore_mem>>) {add = true}
    }
    %scan3A_55 = arith.constant 84 : i32
    %scan3A_56 = arith.constant 0 : i32
    %scan3A_57 = arith.constant 0 : i32
    %scan3A_58 = arith.constant 84 : i32
    %scan3A_59 = arith.addi %scan3A_57, %scan3A_58 : i32
    %scan3A_60 = arith.constant 1 : i32
    scf.for %scan3A_67 = %scan3A_57 to %scan3A_59 step %scan3A_60  : i32 {
      %dma_wait3A = arith.constant 0 : i32
      %dma_wait3A_68 = arith.constant 1 : i32
      %dma_wait3A_69 = arith.constant 0 : i32
      %dma_wait3A_70 = tpu.memref_slice %arg6[%dma_wait3A_69] : memref<128xf32, #tpu.memory_space<vmem>> -> memref<120xf32, #tpu.memory_space<vmem>>
      %dma_wait3A_71 = arith.constant 0 : i32
      %dma_wait3A_72 = tpu.memref_slice %arg5[%dma_wait3A, %dma_wait3A_68, %dma_wait3A_71] : memref<84x2x120xi32, #tpu.memory_space<vmem>> -> memref<1x1x120xi32, #tpu.memory_space<vmem>>
      %dma_wait3A_73 = tpu.memref_squeeze %dma_wait3A_72 : memref<1x1x120xi32, #tpu.memory_space<vmem>> -> memref<120xi32, #tpu.memory_space<vmem>>
      %dma_wait3A_74 = arith.constant 0 : i32
      %dma_wait3A_75 = tpu.memref_slice %arg7[%dma_wait3A_74] : memref<10240xf32, #tpu.memory_space<vmem_shared>> -> memref<10240xf32, #tpu.memory_space<vmem_shared>>
      tpu.wait_indirect_dma semaphore(%arg8 : memref<!tpu.dma_semaphore, #tpu.memory_space<semaphore_mem>>) src(%dma_wait3A_70 : memref<120xf32, #tpu.memory_space<vmem>>) dst(%dma_wait3A_75 : memref<10240xf32, #tpu.memory_space<vmem_shared>>)
    }
    %scan3A_61 = arith.constant 84 : i32
    %barrier3A_62 = arith.constant 0 : index
    tpu.barrier barrier_id(%barrier3A_62)
    %mul3A_63 = arith.constant 640 : i32
    %mul3A_64 = arith.muli %arg1, %mul3A_63 : i32
    %mul3A_65 = arith.constant 640 : i32
    %mul3A_66 = arith.muli %arg1, %mul3A_65 : i32
    "tpu.region"() ({
      %run_scoped3A = tpu.sem_alloc : memref<!tpu.dma_semaphore, #tpu.memory_space<semaphore_mem>>
      %dma_start3A = tpu.memref_slice %arg4[%arg0, %mul3A_66] : memref<2x10240xf32, #tpu.memory_space<hbm>> -> memref<1x640xf32, #tpu.memory_space<hbm>>
      %dma_start3A_67 = tpu.memref_squeeze %dma_start3A : memref<1x640xf32, #tpu.memory_space<hbm>> -> memref<640xf32, #tpu.memory_space<hbm>>
      %dma_start3A_68 = tpu.memref_slice %arg7[%mul3A_64] : memref<10240xf32, #tpu.memory_space<vmem_shared>> -> memref<640xf32, #tpu.memory_space<vmem_shared>>
      tpu.enqueue_dma source(%dma_start3A_68 : memref<640xf32, #tpu.memory_space<vmem_shared>>) target(%dma_start3A_67 : memref<640xf32, #tpu.memory_space<hbm>>) target_semaphore(%run_scoped3A : memref<!tpu.dma_semaphore, #tpu.memory_space<semaphore_mem>>)
      %dma_wait3A = tpu.memref_slice %arg4[%arg0, %mul3A_66] : memref<2x10240xf32, #tpu.memory_space<hbm>> -> memref<1x640xf32, #tpu.memory_space<hbm>>
      %dma_wait3A_69 = tpu.memref_squeeze %dma_wait3A : memref<1x640xf32, #tpu.memory_space<hbm>> -> memref<640xf32, #tpu.memory_space<hbm>>
      %dma_wait3A_70 = tpu.memref_slice %arg7[%mul3A_64] : memref<10240xf32, #tpu.memory_space<vmem_shared>> -> memref<640xf32, #tpu.memory_space<vmem_shared>>
      tpu.wait_dma2 semaphore(%run_scoped3A : memref<!tpu.dma_semaphore, #tpu.memory_space<semaphore_mem>>) src(%dma_wait3A_70 : memref<640xf32, #tpu.memory_space<vmem_shared>>) dst(%dma_wait3A_69 : memref<640xf32, #tpu.memory_space<hbm>>)
      tpu.yield
    }) : () -> ()
    return
  }
}

#map = affine_map<(d0, d1) -> (0, 0, 0)>
#map1 = affine_map<(d0, d1) -> (0, 0)>
module attributes {stable_mosaic.version = 14 : i64} {
  func.func @_agg_body(%arg0: i32, %arg1: i32, %arg2: memref<2688x2x120xi32, #tpu.memory_space<hbm>>, %arg3: memref<10000x128xf32, #tpu.memory_space<hbm>>, %arg4: memref<640x128xf32, #tpu.memory_space<hbm>>, %arg5: memref<2x10240x128xf32, #tpu.memory_space<hbm>>, %arg6: memref<6x2x120xi32, #tpu.memory_space<vmem>>, %arg7: memref<3x120x128xf32, #tpu.memory_space<vmem>>, %arg8: memref<10240x128xf32, #tpu.memory_space<vmem_shared>>, %arg9: memref<!tpu.dma_semaphore, #tpu.memory_space<semaphore_mem>>, %arg10: memref<!tpu.dma_semaphore, #tpu.memory_space<semaphore_mem>>, %arg11: memref<!tpu.dma_semaphore, #tpu.memory_space<semaphore_mem>>, %arg12: memref<!tpu.dma_semaphore, #tpu.memory_space<semaphore_mem>>, %arg13: memref<!tpu.dma_semaphore, #tpu.memory_space<semaphore_mem>>, %arg14: memref<!tpu.dma_semaphore, #tpu.memory_space<semaphore_mem>>, %arg15: memref<!tpu.dma_semaphore, #tpu.memory_space<semaphore_mem>>, %arg16: memref<!tpu.dma_semaphore, #tpu.memory_space<semaphore_mem>>, %arg17: memref<!tpu.dma_semaphore, #tpu.memory_space<semaphore_mem>>) attributes {dimension_semantics = [#tpu.dimension_semantics<core_parallel>, #tpu.dimension_semantics<subcore_parallel>], iteration_bounds = array<i64: 2, 16>, scalar_prefetch = 0 : i64, scratch_operands = 12 : i64, tpu.core_type = #tpu.core_type<sc_vector_subcore>, window_params = [{transform_indices = #map}, {transform_indices = #map1}, {transform_indices = #map1}, {transform_indices = #map}]} {
    %mul3A = arith.constant 2 : i32
    %mul3A_0 = arith.muli %arg1, %mul3A : i32
    %add3A = arith.addi %mul3A_0, %arg0 : i32
    %mul3A_1 = arith.constant 84 : i32
    %mul3A_2 = arith.muli %add3A, %mul3A_1 : i32
    %mul3A_3 = arith.constant 640 : i32
    %mul3A_4 = arith.muli %arg1, %mul3A_3 : i32
    "tpu.region"() ({
      %run_scoped3A = tpu.sem_alloc : memref<!tpu.dma_semaphore, #tpu.memory_space<semaphore_mem>>
      %dma_start3A_223 = arith.constant 0 : i32
      %dma_start3A_224 = tpu.memref_slice %arg8[%mul3A_4, %dma_start3A_223] : memref<10240x128xf32, #tpu.memory_space<vmem_shared>> -> memref<640x128xf32, #tpu.memory_space<vmem_shared>>
      tpu.enqueue_dma source(%arg4 : memref<640x128xf32, #tpu.memory_space<hbm>>) target(%dma_start3A_224 : memref<640x128xf32, #tpu.memory_space<vmem_shared>>) target_semaphore(%run_scoped3A : memref<!tpu.dma_semaphore, #tpu.memory_space<semaphore_mem>>)
      %dma_wait3A_225 = arith.constant 0 : i32
      %dma_wait3A_226 = tpu.memref_slice %arg8[%mul3A_4, %dma_wait3A_225] : memref<10240x128xf32, #tpu.memory_space<vmem_shared>> -> memref<640x128xf32, #tpu.memory_space<vmem_shared>>
      tpu.wait_dma2 semaphore(%run_scoped3A : memref<!tpu.dma_semaphore, #tpu.memory_space<semaphore_mem>>) src(%arg4 : memref<640x128xf32, #tpu.memory_space<hbm>>) dst(%dma_wait3A_226 : memref<640x128xf32, #tpu.memory_space<vmem_shared>>)
      tpu.yield
    }) : () -> ()
    %barrier3A = arith.constant 0 : index
    tpu.barrier barrier_id(%barrier3A)
    %add3A_5 = arith.constant 0 : i32
    %add3A_6 = arith.addi %mul3A_2, %add3A_5 : i32
    %dma_start3A = arith.constant 0 : i32
    %dma_start3A_7 = arith.constant 0 : i32
    %dma_start3A_8 = arith.constant 0 : i32
    %dma_start3A_9 = tpu.memref_slice %arg6[%dma_start3A, %dma_start3A_7, %dma_start3A_8] : memref<6x2x120xi32, #tpu.memory_space<vmem>> -> memref<1x2x120xi32, #tpu.memory_space<vmem>>
    %dma_start3A_10 = tpu.memref_squeeze %dma_start3A_9 : memref<1x2x120xi32, #tpu.memory_space<vmem>> -> memref<2x120xi32, #tpu.memory_space<vmem>>
    %dma_start3A_11 = arith.constant 0 : i32
    %dma_start3A_12 = arith.constant 0 : i32
    %dma_start3A_13 = tpu.memref_slice %arg2[%add3A_6, %dma_start3A_11, %dma_start3A_12] : memref<2688x2x120xi32, #tpu.memory_space<hbm>> -> memref<1x2x120xi32, #tpu.memory_space<hbm>>
    %dma_start3A_14 = tpu.memref_squeeze %dma_start3A_13 : memref<1x2x120xi32, #tpu.memory_space<hbm>> -> memref<2x120xi32, #tpu.memory_space<hbm>>
    %dma_start3A_15 = arith.constant 0 : i32
    %dma_start3A_16 = arith.constant 0 : i32
    %dma_start3A_17 = tpu.memref_slice %arg6[%dma_start3A, %dma_start3A_15, %dma_start3A_16] : memref<6x2x120xi32, #tpu.memory_space<vmem>> -> memref<1x2x120xi32, #tpu.memory_space<vmem>>
    %dma_start3A_18 = tpu.memref_squeeze %dma_start3A_17 : memref<1x2x120xi32, #tpu.memory_space<vmem>> -> memref<2x120xi32, #tpu.memory_space<vmem>>
    %dma_start3A_19 = arith.constant 0 : i32
    %dma_start3A_20 = arith.constant 0 : i32
    %dma_start3A_21 = tpu.memref_slice %arg2[%add3A_6, %dma_start3A_19, %dma_start3A_20] : memref<2688x2x120xi32, #tpu.memory_space<hbm>> -> memref<1x2x120xi32, #tpu.memory_space<hbm>>
    %dma_start3A_22 = tpu.memref_squeeze %dma_start3A_21 : memref<1x2x120xi32, #tpu.memory_space<hbm>> -> memref<2x120xi32, #tpu.memory_space<hbm>>
    tpu.enqueue_dma source(%dma_start3A_22 : memref<2x120xi32, #tpu.memory_space<hbm>>) target(%dma_start3A_18 : memref<2x120xi32, #tpu.memory_space<vmem>>) target_semaphore(%arg12 : memref<!tpu.dma_semaphore, #tpu.memory_space<semaphore_mem>>)
    %add3A_23 = arith.constant 1 : i32
    %add3A_24 = arith.addi %mul3A_2, %add3A_23 : i32
    %dma_start3A_25 = arith.constant 1 : i32
    %dma_start3A_26 = arith.constant 0 : i32
    %dma_start3A_27 = arith.constant 0 : i32
    %dma_start3A_28 = tpu.memref_slice %arg6[%dma_start3A_25, %dma_start3A_26, %dma_start3A_27] : memref<6x2x120xi32, #tpu.memory_space<vmem>> -> memref<1x2x120xi32, #tpu.memory_space<vmem>>
    %dma_start3A_29 = tpu.memref_squeeze %dma_start3A_28 : memref<1x2x120xi32, #tpu.memory_space<vmem>> -> memref<2x120xi32, #tpu.memory_space<vmem>>
    %dma_start3A_30 = arith.constant 0 : i32
    %dma_start3A_31 = arith.constant 0 : i32
    %dma_start3A_32 = tpu.memref_slice %arg2[%add3A_24, %dma_start3A_30, %dma_start3A_31] : memref<2688x2x120xi32, #tpu.memory_space<hbm>> -> memref<1x2x120xi32, #tpu.memory_space<hbm>>
    %dma_start3A_33 = tpu.memref_squeeze %dma_start3A_32 : memref<1x2x120xi32, #tpu.memory_space<hbm>> -> memref<2x120xi32, #tpu.memory_space<hbm>>
    %dma_start3A_34 = arith.constant 0 : i32
    %dma_start3A_35 = arith.constant 0 : i32
    %dma_start3A_36 = tpu.memref_slice %arg6[%dma_start3A_25, %dma_start3A_34, %dma_start3A_35] : memref<6x2x120xi32, #tpu.memory_space<vmem>> -> memref<1x2x120xi32, #tpu.memory_space<vmem>>
    %dma_start3A_37 = tpu.memref_squeeze %dma_start3A_36 : memref<1x2x120xi32, #tpu.memory_space<vmem>> -> memref<2x120xi32, #tpu.memory_space<vmem>>
    %dma_start3A_38 = arith.constant 0 : i32
    %dma_start3A_39 = arith.constant 0 : i32
    %dma_start3A_40 = tpu.memref_slice %arg2[%add3A_24, %dma_start3A_38, %dma_start3A_39] : memref<2688x2x120xi32, #tpu.memory_space<hbm>> -> memref<1x2x120xi32, #tpu.memory_space<hbm>>
    %dma_start3A_41 = tpu.memref_squeeze %dma_start3A_40 : memref<1x2x120xi32, #tpu.memory_space<hbm>> -> memref<2x120xi32, #tpu.memory_space<hbm>>
    tpu.enqueue_dma source(%dma_start3A_41 : memref<2x120xi32, #tpu.memory_space<hbm>>) target(%dma_start3A_37 : memref<2x120xi32, #tpu.memory_space<vmem>>) target_semaphore(%arg13 : memref<!tpu.dma_semaphore, #tpu.memory_space<semaphore_mem>>)
    %add3A_42 = arith.constant 2 : i32
    %add3A_43 = arith.addi %mul3A_2, %add3A_42 : i32
    %dma_start3A_44 = arith.constant 2 : i32
    %dma_start3A_45 = arith.constant 0 : i32
    %dma_start3A_46 = arith.constant 0 : i32
    %dma_start3A_47 = tpu.memref_slice %arg6[%dma_start3A_44, %dma_start3A_45, %dma_start3A_46] : memref<6x2x120xi32, #tpu.memory_space<vmem>> -> memref<1x2x120xi32, #tpu.memory_space<vmem>>
    %dma_start3A_48 = tpu.memref_squeeze %dma_start3A_47 : memref<1x2x120xi32, #tpu.memory_space<vmem>> -> memref<2x120xi32, #tpu.memory_space<vmem>>
    %dma_start3A_49 = arith.constant 0 : i32
    %dma_start3A_50 = arith.constant 0 : i32
    %dma_start3A_51 = tpu.memref_slice %arg2[%add3A_43, %dma_start3A_49, %dma_start3A_50] : memref<2688x2x120xi32, #tpu.memory_space<hbm>> -> memref<1x2x120xi32, #tpu.memory_space<hbm>>
    %dma_start3A_52 = tpu.memref_squeeze %dma_start3A_51 : memref<1x2x120xi32, #tpu.memory_space<hbm>> -> memref<2x120xi32, #tpu.memory_space<hbm>>
    %dma_start3A_53 = arith.constant 0 : i32
    %dma_start3A_54 = arith.constant 0 : i32
    %dma_start3A_55 = tpu.memref_slice %arg6[%dma_start3A_44, %dma_start3A_53, %dma_start3A_54] : memref<6x2x120xi32, #tpu.memory_space<vmem>> -> memref<1x2x120xi32, #tpu.memory_space<vmem>>
    %dma_start3A_56 = tpu.memref_squeeze %dma_start3A_55 : memref<1x2x120xi32, #tpu.memory_space<vmem>> -> memref<2x120xi32, #tpu.memory_space<vmem>>
    %dma_start3A_57 = arith.constant 0 : i32
    %dma_start3A_58 = arith.constant 0 : i32
    %dma_start3A_59 = tpu.memref_slice %arg2[%add3A_43, %dma_start3A_57, %dma_start3A_58] : memref<2688x2x120xi32, #tpu.memory_space<hbm>> -> memref<1x2x120xi32, #tpu.memory_space<hbm>>
    %dma_start3A_60 = tpu.memref_squeeze %dma_start3A_59 : memref<1x2x120xi32, #tpu.memory_space<hbm>> -> memref<2x120xi32, #tpu.memory_space<hbm>>
    tpu.enqueue_dma source(%dma_start3A_60 : memref<2x120xi32, #tpu.memory_space<hbm>>) target(%dma_start3A_56 : memref<2x120xi32, #tpu.memory_space<vmem>>) target_semaphore(%arg14 : memref<!tpu.dma_semaphore, #tpu.memory_space<semaphore_mem>>)
    %add3A_61 = arith.constant 3 : i32
    %add3A_62 = arith.addi %mul3A_2, %add3A_61 : i32
    %dma_start3A_63 = arith.constant 3 : i32
    %dma_start3A_64 = arith.constant 0 : i32
    %dma_start3A_65 = arith.constant 0 : i32
    %dma_start3A_66 = tpu.memref_slice %arg6[%dma_start3A_63, %dma_start3A_64, %dma_start3A_65] : memref<6x2x120xi32, #tpu.memory_space<vmem>> -> memref<1x2x120xi32, #tpu.memory_space<vmem>>
    %dma_start3A_67 = tpu.memref_squeeze %dma_start3A_66 : memref<1x2x120xi32, #tpu.memory_space<vmem>> -> memref<2x120xi32, #tpu.memory_space<vmem>>
    %dma_start3A_68 = arith.constant 0 : i32
    %dma_start3A_69 = arith.constant 0 : i32
    %dma_start3A_70 = tpu.memref_slice %arg2[%add3A_62, %dma_start3A_68, %dma_start3A_69] : memref<2688x2x120xi32, #tpu.memory_space<hbm>> -> memref<1x2x120xi32, #tpu.memory_space<hbm>>
    %dma_start3A_71 = tpu.memref_squeeze %dma_start3A_70 : memref<1x2x120xi32, #tpu.memory_space<hbm>> -> memref<2x120xi32, #tpu.memory_space<hbm>>
    %dma_start3A_72 = arith.constant 0 : i32
    %dma_start3A_73 = arith.constant 0 : i32
    %dma_start3A_74 = tpu.memref_slice %arg6[%dma_start3A_63, %dma_start3A_72, %dma_start3A_73] : memref<6x2x120xi32, #tpu.memory_space<vmem>> -> memref<1x2x120xi32, #tpu.memory_space<vmem>>
    %dma_start3A_75 = tpu.memref_squeeze %dma_start3A_74 : memref<1x2x120xi32, #tpu.memory_space<vmem>> -> memref<2x120xi32, #tpu.memory_space<vmem>>
    %dma_start3A_76 = arith.constant 0 : i32
    %dma_start3A_77 = arith.constant 0 : i32
    %dma_start3A_78 = tpu.memref_slice %arg2[%add3A_62, %dma_start3A_76, %dma_start3A_77] : memref<2688x2x120xi32, #tpu.memory_space<hbm>> -> memref<1x2x120xi32, #tpu.memory_space<hbm>>
    %dma_start3A_79 = tpu.memref_squeeze %dma_start3A_78 : memref<1x2x120xi32, #tpu.memory_space<hbm>> -> memref<2x120xi32, #tpu.memory_space<hbm>>
    tpu.enqueue_dma source(%dma_start3A_79 : memref<2x120xi32, #tpu.memory_space<hbm>>) target(%dma_start3A_75 : memref<2x120xi32, #tpu.memory_space<vmem>>) target_semaphore(%arg15 : memref<!tpu.dma_semaphore, #tpu.memory_space<semaphore_mem>>)
    %add3A_80 = arith.constant 4 : i32
    %add3A_81 = arith.addi %mul3A_2, %add3A_80 : i32
    %dma_start3A_82 = arith.constant 4 : i32
    %dma_start3A_83 = arith.constant 0 : i32
    %dma_start3A_84 = arith.constant 0 : i32
    %dma_start3A_85 = tpu.memref_slice %arg6[%dma_start3A_82, %dma_start3A_83, %dma_start3A_84] : memref<6x2x120xi32, #tpu.memory_space<vmem>> -> memref<1x2x120xi32, #tpu.memory_space<vmem>>
    %dma_start3A_86 = tpu.memref_squeeze %dma_start3A_85 : memref<1x2x120xi32, #tpu.memory_space<vmem>> -> memref<2x120xi32, #tpu.memory_space<vmem>>
    %dma_start3A_87 = arith.constant 0 : i32
    %dma_start3A_88 = arith.constant 0 : i32
    %dma_start3A_89 = tpu.memref_slice %arg2[%add3A_81, %dma_start3A_87, %dma_start3A_88] : memref<2688x2x120xi32, #tpu.memory_space<hbm>> -> memref<1x2x120xi32, #tpu.memory_space<hbm>>
    %dma_start3A_90 = tpu.memref_squeeze %dma_start3A_89 : memref<1x2x120xi32, #tpu.memory_space<hbm>> -> memref<2x120xi32, #tpu.memory_space<hbm>>
    %dma_start3A_91 = arith.constant 0 : i32
    %dma_start3A_92 = arith.constant 0 : i32
    %dma_start3A_93 = tpu.memref_slice %arg6[%dma_start3A_82, %dma_start3A_91, %dma_start3A_92] : memref<6x2x120xi32, #tpu.memory_space<vmem>> -> memref<1x2x120xi32, #tpu.memory_space<vmem>>
    %dma_start3A_94 = tpu.memref_squeeze %dma_start3A_93 : memref<1x2x120xi32, #tpu.memory_space<vmem>> -> memref<2x120xi32, #tpu.memory_space<vmem>>
    %dma_start3A_95 = arith.constant 0 : i32
    %dma_start3A_96 = arith.constant 0 : i32
    %dma_start3A_97 = tpu.memref_slice %arg2[%add3A_81, %dma_start3A_95, %dma_start3A_96] : memref<2688x2x120xi32, #tpu.memory_space<hbm>> -> memref<1x2x120xi32, #tpu.memory_space<hbm>>
    %dma_start3A_98 = tpu.memref_squeeze %dma_start3A_97 : memref<1x2x120xi32, #tpu.memory_space<hbm>> -> memref<2x120xi32, #tpu.memory_space<hbm>>
    tpu.enqueue_dma source(%dma_start3A_98 : memref<2x120xi32, #tpu.memory_space<hbm>>) target(%dma_start3A_94 : memref<2x120xi32, #tpu.memory_space<vmem>>) target_semaphore(%arg16 : memref<!tpu.dma_semaphore, #tpu.memory_space<semaphore_mem>>)
    %add3A_99 = arith.constant 5 : i32
    %add3A_100 = arith.addi %mul3A_2, %add3A_99 : i32
    %dma_start3A_101 = arith.constant 5 : i32
    %dma_start3A_102 = arith.constant 0 : i32
    %dma_start3A_103 = arith.constant 0 : i32
    %dma_start3A_104 = tpu.memref_slice %arg6[%dma_start3A_101, %dma_start3A_102, %dma_start3A_103] : memref<6x2x120xi32, #tpu.memory_space<vmem>> -> memref<1x2x120xi32, #tpu.memory_space<vmem>>
    %dma_start3A_105 = tpu.memref_squeeze %dma_start3A_104 : memref<1x2x120xi32, #tpu.memory_space<vmem>> -> memref<2x120xi32, #tpu.memory_space<vmem>>
    %dma_start3A_106 = arith.constant 0 : i32
    %dma_start3A_107 = arith.constant 0 : i32
    %dma_start3A_108 = tpu.memref_slice %arg2[%add3A_100, %dma_start3A_106, %dma_start3A_107] : memref<2688x2x120xi32, #tpu.memory_space<hbm>> -> memref<1x2x120xi32, #tpu.memory_space<hbm>>
    %dma_start3A_109 = tpu.memref_squeeze %dma_start3A_108 : memref<1x2x120xi32, #tpu.memory_space<hbm>> -> memref<2x120xi32, #tpu.memory_space<hbm>>
    %dma_start3A_110 = arith.constant 0 : i32
    %dma_start3A_111 = arith.constant 0 : i32
    %dma_start3A_112 = tpu.memref_slice %arg6[%dma_start3A_101, %dma_start3A_110, %dma_start3A_111] : memref<6x2x120xi32, #tpu.memory_space<vmem>> -> memref<1x2x120xi32, #tpu.memory_space<vmem>>
    %dma_start3A_113 = tpu.memref_squeeze %dma_start3A_112 : memref<1x2x120xi32, #tpu.memory_space<vmem>> -> memref<2x120xi32, #tpu.memory_space<vmem>>
    %dma_start3A_114 = arith.constant 0 : i32
    %dma_start3A_115 = arith.constant 0 : i32
    %dma_start3A_116 = tpu.memref_slice %arg2[%add3A_100, %dma_start3A_114, %dma_start3A_115] : memref<2688x2x120xi32, #tpu.memory_space<hbm>> -> memref<1x2x120xi32, #tpu.memory_space<hbm>>
    %dma_start3A_117 = tpu.memref_squeeze %dma_start3A_116 : memref<1x2x120xi32, #tpu.memory_space<hbm>> -> memref<2x120xi32, #tpu.memory_space<hbm>>
    tpu.enqueue_dma source(%dma_start3A_117 : memref<2x120xi32, #tpu.memory_space<hbm>>) target(%dma_start3A_113 : memref<2x120xi32, #tpu.memory_space<vmem>>) target_semaphore(%arg17 : memref<!tpu.dma_semaphore, #tpu.memory_space<semaphore_mem>>)
    %add3A_118 = arith.constant 0 : i32
    %add3A_119 = arith.addi %mul3A_2, %add3A_118 : i32
    %dma_wait3A = arith.constant 0 : i32
    %dma_wait3A_120 = arith.constant 0 : i32
    %dma_wait3A_121 = arith.constant 0 : i32
    %dma_wait3A_122 = tpu.memref_slice %arg6[%dma_wait3A, %dma_wait3A_120, %dma_wait3A_121] : memref<6x2x120xi32, #tpu.memory_space<vmem>> -> memref<1x2x120xi32, #tpu.memory_space<vmem>>
    %dma_wait3A_123 = tpu.memref_squeeze %dma_wait3A_122 : memref<1x2x120xi32, #tpu.memory_space<vmem>> -> memref<2x120xi32, #tpu.memory_space<vmem>>
    %dma_wait3A_124 = arith.constant 0 : i32
    %dma_wait3A_125 = arith.constant 0 : i32
    %dma_wait3A_126 = tpu.memref_slice %arg2[%add3A_119, %dma_wait3A_124, %dma_wait3A_125] : memref<2688x2x120xi32, #tpu.memory_space<hbm>> -> memref<1x2x120xi32, #tpu.memory_space<hbm>>
    %dma_wait3A_127 = tpu.memref_squeeze %dma_wait3A_126 : memref<1x2x120xi32, #tpu.memory_space<hbm>> -> memref<2x120xi32, #tpu.memory_space<hbm>>
    %dma_wait3A_128 = arith.constant 0 : i32
    %dma_wait3A_129 = arith.constant 0 : i32
    %dma_wait3A_130 = tpu.memref_slice %arg6[%dma_wait3A, %dma_wait3A_128, %dma_wait3A_129] : memref<6x2x120xi32, #tpu.memory_space<vmem>> -> memref<1x2x120xi32, #tpu.memory_space<vmem>>
    %dma_wait3A_131 = tpu.memref_squeeze %dma_wait3A_130 : memref<1x2x120xi32, #tpu.memory_space<vmem>> -> memref<2x120xi32, #tpu.memory_space<vmem>>
    %dma_wait3A_132 = arith.constant 0 : i32
    %dma_wait3A_133 = arith.constant 0 : i32
    %dma_wait3A_134 = tpu.memref_slice %arg2[%add3A_119, %dma_wait3A_132, %dma_wait3A_133] : memref<2688x2x120xi32, #tpu.memory_space<hbm>> -> memref<1x2x120xi32, #tpu.memory_space<hbm>>
    %dma_wait3A_135 = tpu.memref_squeeze %dma_wait3A_134 : memref<1x2x120xi32, #tpu.memory_space<hbm>> -> memref<2x120xi32, #tpu.memory_space<hbm>>
    tpu.wait_dma2 semaphore(%arg12 : memref<!tpu.dma_semaphore, #tpu.memory_space<semaphore_mem>>) src(%dma_wait3A_135 : memref<2x120xi32, #tpu.memory_space<hbm>>) dst(%dma_wait3A_131 : memref<2x120xi32, #tpu.memory_space<vmem>>)
    %dma_start3A_136 = arith.constant 0 : i32
    %dma_start3A_137 = arith.constant 0 : i32
    %dma_start3A_138 = arith.constant 0 : i32
    %dma_start3A_139 = arith.constant 0 : i32
    %dma_start3A_140 = arith.constant 0 : i32
    %dma_start3A_141 = tpu.memref_slice %arg7[%dma_start3A_138, %dma_start3A_139, %dma_start3A_140] : memref<3x120x128xf32, #tpu.memory_space<vmem>> -> memref<1x120x128xf32, #tpu.memory_space<vmem>>
    %dma_start3A_142 = tpu.memref_squeeze %dma_start3A_141 : memref<1x120x128xf32, #tpu.memory_space<vmem>> -> memref<120x128xf32, #tpu.memory_space<vmem>>
    %dma_start3A_143 = arith.constant 0 : i32
    %dma_start3A_144 = tpu.memref_slice %arg6[%dma_start3A_136, %dma_start3A_137, %dma_start3A_143] : memref<6x2x120xi32, #tpu.memory_space<vmem>> -> memref<1x1x120xi32, #tpu.memory_space<vmem>>
    %dma_start3A_145 = tpu.memref_squeeze %dma_start3A_144 : memref<1x1x120xi32, #tpu.memory_space<vmem>> -> memref<120xi32, #tpu.memory_space<vmem>>
    %dma_start3A_146 = arith.constant 0 : i32
    %dma_start3A_147 = arith.constant 0 : i32
    %dma_start3A_148 = tpu.memref_slice %arg3[%dma_start3A_146, %dma_start3A_147] : memref<10000x128xf32, #tpu.memory_space<hbm>> -> memref<10000x128xf32, #tpu.memory_space<hbm>>
    tpu.enqueue_indirect_dma source(%dma_start3A_148 : memref<10000x128xf32, #tpu.memory_space<hbm>>) target(%dma_start3A_142 : memref<120x128xf32, #tpu.memory_space<vmem>>) offsets(%dma_start3A_145 : memref<120xi32, #tpu.memory_space<vmem>>) semaphore(%arg9 : memref<!tpu.dma_semaphore, #tpu.memory_space<semaphore_mem>>)
    %add3A_149 = arith.constant 1 : i32
    %add3A_150 = arith.addi %mul3A_2, %add3A_149 : i32
    %dma_wait3A_151 = arith.constant 1 : i32
    %dma_wait3A_152 = arith.constant 0 : i32
    %dma_wait3A_153 = arith.constant 0 : i32
    %dma_wait3A_154 = tpu.memref_slice %arg6[%dma_wait3A_151, %dma_wait3A_152, %dma_wait3A_153] : memref<6x2x120xi32, #tpu.memory_space<vmem>> -> memref<1x2x120xi32, #tpu.memory_space<vmem>>
    %dma_wait3A_155 = tpu.memref_squeeze %dma_wait3A_154 : memref<1x2x120xi32, #tpu.memory_space<vmem>> -> memref<2x120xi32, #tpu.memory_space<vmem>>
    %dma_wait3A_156 = arith.constant 0 : i32
    %dma_wait3A_157 = arith.constant 0 : i32
    %dma_wait3A_158 = tpu.memref_slice %arg2[%add3A_150, %dma_wait3A_156, %dma_wait3A_157] : memref<2688x2x120xi32, #tpu.memory_space<hbm>> -> memref<1x2x120xi32, #tpu.memory_space<hbm>>
    %dma_wait3A_159 = tpu.memref_squeeze %dma_wait3A_158 : memref<1x2x120xi32, #tpu.memory_space<hbm>> -> memref<2x120xi32, #tpu.memory_space<hbm>>
    %dma_wait3A_160 = arith.constant 0 : i32
    %dma_wait3A_161 = arith.constant 0 : i32
    %dma_wait3A_162 = tpu.memref_slice %arg6[%dma_wait3A_151, %dma_wait3A_160, %dma_wait3A_161] : memref<6x2x120xi32, #tpu.memory_space<vmem>> -> memref<1x2x120xi32, #tpu.memory_space<vmem>>
    %dma_wait3A_163 = tpu.memref_squeeze %dma_wait3A_162 : memref<1x2x120xi32, #tpu.memory_space<vmem>> -> memref<2x120xi32, #tpu.memory_space<vmem>>
    %dma_wait3A_164 = arith.constant 0 : i32
    %dma_wait3A_165 = arith.constant 0 : i32
    %dma_wait3A_166 = tpu.memref_slice %arg2[%add3A_150, %dma_wait3A_164, %dma_wait3A_165] : memref<2688x2x120xi32, #tpu.memory_space<hbm>> -> memref<1x2x120xi32, #tpu.memory_space<hbm>>
    %dma_wait3A_167 = tpu.memref_squeeze %dma_wait3A_166 : memref<1x2x120xi32, #tpu.memory_space<hbm>> -> memref<2x120xi32, #tpu.memory_space<hbm>>
    tpu.wait_dma2 semaphore(%arg13 : memref<!tpu.dma_semaphore, #tpu.memory_space<semaphore_mem>>) src(%dma_wait3A_167 : memref<2x120xi32, #tpu.memory_space<hbm>>) dst(%dma_wait3A_163 : memref<2x120xi32, #tpu.memory_space<vmem>>)
    %dma_start3A_168 = arith.constant 1 : i32
    %dma_start3A_169 = arith.constant 0 : i32
    %dma_start3A_170 = arith.constant 1 : i32
    %dma_start3A_171 = arith.constant 0 : i32
    %dma_start3A_172 = arith.constant 0 : i32
    %dma_start3A_173 = tpu.memref_slice %arg7[%dma_start3A_170, %dma_start3A_171, %dma_start3A_172] : memref<3x120x128xf32, #tpu.memory_space<vmem>> -> memref<1x120x128xf32, #tpu.memory_space<vmem>>
    %dma_start3A_174 = tpu.memref_squeeze %dma_start3A_173 : memref<1x120x128xf32, #tpu.memory_space<vmem>> -> memref<120x128xf32, #tpu.memory_space<vmem>>
    %dma_start3A_175 = arith.constant 0 : i32
    %dma_start3A_176 = tpu.memref_slice %arg6[%dma_start3A_168, %dma_start3A_169, %dma_start3A_175] : memref<6x2x120xi32, #tpu.memory_space<vmem>> -> memref<1x1x120xi32, #tpu.memory_space<vmem>>
    %dma_start3A_177 = tpu.memref_squeeze %dma_start3A_176 : memref<1x1x120xi32, #tpu.memory_space<vmem>> -> memref<120xi32, #tpu.memory_space<vmem>>
    %dma_start3A_178 = arith.constant 0 : i32
    %dma_start3A_179 = arith.constant 0 : i32
    %dma_start3A_180 = tpu.memref_slice %arg3[%dma_start3A_178, %dma_start3A_179] : memref<10000x128xf32, #tpu.memory_space<hbm>> -> memref<10000x128xf32, #tpu.memory_space<hbm>>
    tpu.enqueue_indirect_dma source(%dma_start3A_180 : memref<10000x128xf32, #tpu.memory_space<hbm>>) target(%dma_start3A_174 : memref<120x128xf32, #tpu.memory_space<vmem>>) offsets(%dma_start3A_177 : memref<120xi32, #tpu.memory_space<vmem>>) semaphore(%arg10 : memref<!tpu.dma_semaphore, #tpu.memory_space<semaphore_mem>>)
    %add3A_181 = arith.constant 2 : i32
    %add3A_182 = arith.addi %mul3A_2, %add3A_181 : i32
    %dma_wait3A_183 = arith.constant 2 : i32
    %dma_wait3A_184 = arith.constant 0 : i32
    %dma_wait3A_185 = arith.constant 0 : i32
    %dma_wait3A_186 = tpu.memref_slice %arg6[%dma_wait3A_183, %dma_wait3A_184, %dma_wait3A_185] : memref<6x2x120xi32, #tpu.memory_space<vmem>> -> memref<1x2x120xi32, #tpu.memory_space<vmem>>
    %dma_wait3A_187 = tpu.memref_squeeze %dma_wait3A_186 : memref<1x2x120xi32, #tpu.memory_space<vmem>> -> memref<2x120xi32, #tpu.memory_space<vmem>>
    %dma_wait3A_188 = arith.constant 0 : i32
    %dma_wait3A_189 = arith.constant 0 : i32
    %dma_wait3A_190 = tpu.memref_slice %arg2[%add3A_182, %dma_wait3A_188, %dma_wait3A_189] : memref<2688x2x120xi32, #tpu.memory_space<hbm>> -> memref<1x2x120xi32, #tpu.memory_space<hbm>>
    %dma_wait3A_191 = tpu.memref_squeeze %dma_wait3A_190 : memref<1x2x120xi32, #tpu.memory_space<hbm>> -> memref<2x120xi32, #tpu.memory_space<hbm>>
    %dma_wait3A_192 = arith.constant 0 : i32
    %dma_wait3A_193 = arith.constant 0 : i32
    %dma_wait3A_194 = tpu.memref_slice %arg6[%dma_wait3A_183, %dma_wait3A_192, %dma_wait3A_193] : memref<6x2x120xi32, #tpu.memory_space<vmem>> -> memref<1x2x120xi32, #tpu.memory_space<vmem>>
    %dma_wait3A_195 = tpu.memref_squeeze %dma_wait3A_194 : memref<1x2x120xi32, #tpu.memory_space<vmem>> -> memref<2x120xi32, #tpu.memory_space<vmem>>
    %dma_wait3A_196 = arith.constant 0 : i32
    %dma_wait3A_197 = arith.constant 0 : i32
    %dma_wait3A_198 = tpu.memref_slice %arg2[%add3A_182, %dma_wait3A_196, %dma_wait3A_197] : memref<2688x2x120xi32, #tpu.memory_space<hbm>> -> memref<1x2x120xi32, #tpu.memory_space<hbm>>
    %dma_wait3A_199 = tpu.memref_squeeze %dma_wait3A_198 : memref<1x2x120xi32, #tpu.memory_space<hbm>> -> memref<2x120xi32, #tpu.memory_space<hbm>>
    tpu.wait_dma2 semaphore(%arg14 : memref<!tpu.dma_semaphore, #tpu.memory_space<semaphore_mem>>) src(%dma_wait3A_199 : memref<2x120xi32, #tpu.memory_space<hbm>>) dst(%dma_wait3A_195 : memref<2x120xi32, #tpu.memory_space<vmem>>)
    %dma_start3A_200 = arith.constant 2 : i32
    %dma_start3A_201 = arith.constant 0 : i32
    %dma_start3A_202 = arith.constant 2 : i32
    %dma_start3A_203 = arith.constant 0 : i32
    %dma_start3A_204 = arith.constant 0 : i32
    %dma_start3A_205 = tpu.memref_slice %arg7[%dma_start3A_202, %dma_start3A_203, %dma_start3A_204] : memref<3x120x128xf32, #tpu.memory_space<vmem>> -> memref<1x120x128xf32, #tpu.memory_space<vmem>>
    %dma_start3A_206 = tpu.memref_squeeze %dma_start3A_205 : memref<1x120x128xf32, #tpu.memory_space<vmem>> -> memref<120x128xf32, #tpu.memory_space<vmem>>
    %dma_start3A_207 = arith.constant 0 : i32
    %dma_start3A_208 = tpu.memref_slice %arg6[%dma_start3A_200, %dma_start3A_201, %dma_start3A_207] : memref<6x2x120xi32, #tpu.memory_space<vmem>> -> memref<1x1x120xi32, #tpu.memory_space<vmem>>
    %dma_start3A_209 = tpu.memref_squeeze %dma_start3A_208 : memref<1x1x120xi32, #tpu.memory_space<vmem>> -> memref<120xi32, #tpu.memory_space<vmem>>
    %dma_start3A_210 = arith.constant 0 : i32
    %dma_start3A_211 = arith.constant 0 : i32
    %dma_start3A_212 = tpu.memref_slice %arg3[%dma_start3A_210, %dma_start3A_211] : memref<10000x128xf32, #tpu.memory_space<hbm>> -> memref<10000x128xf32, #tpu.memory_space<hbm>>
    tpu.enqueue_indirect_dma source(%dma_start3A_212 : memref<10000x128xf32, #tpu.memory_space<hbm>>) target(%dma_start3A_206 : memref<120x128xf32, #tpu.memory_space<vmem>>) offsets(%dma_start3A_209 : memref<120xi32, #tpu.memory_space<vmem>>) semaphore(%arg11 : memref<!tpu.dma_semaphore, #tpu.memory_space<semaphore_mem>>)
    %scan3A = arith.constant 0 : i32
    %scan3A_213 = arith.constant 0 : i32
    %scan3A_214 = arith.constant 14 : i32
    %scan3A_215 = arith.addi %scan3A_213, %scan3A_214 : i32
    %scan3A_216 = arith.constant 1 : i32
    scf.for %scan3A_223 = %scan3A_213 to %scan3A_215 step %scan3A_216  : i32 {
      %mul3A_224 = arith.constant 6 : i32
      %mul3A_225 = arith.muli %scan3A_223, %mul3A_224 : i32
      %add3A_226 = arith.constant 0 : i32
      %add3A_227 = arith.addi %mul3A_225, %add3A_226 : i32
      %dma_wait3A_228 = arith.constant 0 : i32
      %dma_wait3A_229 = arith.constant 0 : i32
      %dma_wait3A_230 = arith.constant 0 : i32
      %dma_wait3A_231 = arith.constant 0 : i32
      %dma_wait3A_232 = arith.constant 0 : i32
      %dma_wait3A_233 = tpu.memref_slice %arg7[%dma_wait3A_230, %dma_wait3A_231, %dma_wait3A_232] : memref<3x120x128xf32, #tpu.memory_space<vmem>> -> memref<1x120x128xf32, #tpu.memory_space<vmem>>
      %dma_wait3A_234 = tpu.memref_squeeze %dma_wait3A_233 : memref<1x120x128xf32, #tpu.memory_space<vmem>> -> memref<120x128xf32, #tpu.memory_space<vmem>>
      %dma_wait3A_235 = arith.constant 0 : i32
      %dma_wait3A_236 = tpu.memref_slice %arg6[%dma_wait3A_228, %dma_wait3A_229, %dma_wait3A_235] : memref<6x2x120xi32, #tpu.memory_space<vmem>> -> memref<1x1x120xi32, #tpu.memory_space<vmem>>
      %dma_wait3A_237 = tpu.memref_squeeze %dma_wait3A_236 : memref<1x1x120xi32, #tpu.memory_space<vmem>> -> memref<120xi32, #tpu.memory_space<vmem>>
      %dma_wait3A_238 = arith.constant 0 : i32
      %dma_wait3A_239 = arith.constant 0 : i32
      %dma_wait3A_240 = tpu.memref_slice %arg3[%dma_wait3A_238, %dma_wait3A_239] : memref<10000x128xf32, #tpu.memory_space<hbm>> -> memref<10000x128xf32, #tpu.memory_space<hbm>>
      tpu.wait_indirect_dma semaphore(%arg9 : memref<!tpu.dma_semaphore, #tpu.memory_space<semaphore_mem>>) src(%dma_wait3A_240 : memref<10000x128xf32, #tpu.memory_space<hbm>>) dst(%dma_wait3A_234 : memref<120x128xf32, #tpu.memory_space<vmem>>)
      %run_scoped3A = arith.constant 0 : i32
      %run_scoped3A_241 = arith.constant 0 : i32
      %run_scoped3A_242 = arith.constant 1 : i32
      "tpu.region"() ({
        %run_scoped3A_424 = tpu.sem_alloc : memref<!tpu.dma_semaphore, #tpu.memory_space<semaphore_mem>>
        %dma_start3A_425 = arith.constant 0 : i32
        %dma_start3A_426 = arith.constant 0 : i32
        %dma_start3A_427 = tpu.memref_slice %arg7[%run_scoped3A, %dma_start3A_425, %dma_start3A_426] : memref<3x120x128xf32, #tpu.memory_space<vmem>> -> memref<1x120x128xf32, #tpu.memory_space<vmem>>
        %dma_start3A_428 = tpu.memref_squeeze %dma_start3A_427 : memref<1x120x128xf32, #tpu.memory_space<vmem>> -> memref<120x128xf32, #tpu.memory_space<vmem>>
        %dma_start3A_429 = arith.constant 0 : i32
        %dma_start3A_430 = tpu.memref_slice %arg6[%run_scoped3A_241, %run_scoped3A_242, %dma_start3A_429] : memref<6x2x120xi32, #tpu.memory_space<vmem>> -> memref<1x1x120xi32, #tpu.memory_space<vmem>>
        %dma_start3A_431 = tpu.memref_squeeze %dma_start3A_430 : memref<1x1x120xi32, #tpu.memory_space<vmem>> -> memref<120xi32, #tpu.memory_space<vmem>>
        %dma_start3A_432 = arith.constant 0 : i32
        %dma_start3A_433 = arith.constant 0 : i32
        %dma_start3A_434 = tpu.memref_slice %arg8[%dma_start3A_432, %dma_start3A_433] : memref<10240x128xf32, #tpu.memory_space<vmem_shared>> -> memref<10240x128xf32, #tpu.memory_space<vmem_shared>>
        tpu.enqueue_indirect_dma source(%dma_start3A_428 : memref<120x128xf32, #tpu.memory_space<vmem>>) target(%dma_start3A_434 : memref<10240x128xf32, #tpu.memory_space<vmem_shared>>) offsets(%dma_start3A_431 : memref<120xi32, #tpu.memory_space<vmem>>) semaphore(%run_scoped3A_424 : memref<!tpu.dma_semaphore, #tpu.memory_space<semaphore_mem>>) {add = true}
        %dma_wait3A_435 = arith.constant 0 : i32
        %dma_wait3A_436 = arith.constant 0 : i32
        %dma_wait3A_437 = tpu.memref_slice %arg7[%run_scoped3A, %dma_wait3A_435, %dma_wait3A_436] : memref<3x120x128xf32, #tpu.memory_space<vmem>> -> memref<1x120x128xf32, #tpu.memory_space<vmem>>
        %dma_wait3A_438 = tpu.memref_squeeze %dma_wait3A_437 : memref<1x120x128xf32, #tpu.memory_space<vmem>> -> memref<120x128xf32, #tpu.memory_space<vmem>>
        %dma_wait3A_439 = arith.constant 0 : i32
        %dma_wait3A_440 = tpu.memref_slice %arg6[%run_scoped3A_241, %run_scoped3A_242, %dma_wait3A_439] : memref<6x2x120xi32, #tpu.memory_space<vmem>> -> memref<1x1x120xi32, #tpu.memory_space<vmem>>
        %dma_wait3A_441 = tpu.memref_squeeze %dma_wait3A_440 : memref<1x1x120xi32, #tpu.memory_space<vmem>> -> memref<120xi32, #tpu.memory_space<vmem>>
        %dma_wait3A_442 = arith.constant 0 : i32
        %dma_wait3A_443 = arith.constant 0 : i32
        %dma_wait3A_444 = tpu.memref_slice %arg8[%dma_wait3A_442, %dma_wait3A_443] : memref<10240x128xf32, #tpu.memory_space<vmem_shared>> -> memref<10240x128xf32, #tpu.memory_space<vmem_shared>>
        tpu.wait_indirect_dma semaphore(%run_scoped3A_424 : memref<!tpu.dma_semaphore, #tpu.memory_space<semaphore_mem>>) src(%dma_wait3A_438 : memref<120x128xf32, #tpu.memory_space<vmem>>) dst(%dma_wait3A_444 : memref<10240x128xf32, #tpu.memory_space<vmem_shared>>)
        tpu.yield
      }) : () -> ()
      %add3A_243 = arith.constant 6 : i32
      %add3A_244 = arith.addi %add3A_227, %add3A_243 : i32
      %lt3A = arith.constant 84 : i32
      %lt3A_245 = arith.cmpi slt, %add3A_244, %lt3A : i32
      %convert_element_type3A = arith.extui %lt3A_245 : i1 to i32
      %cond3A = arith.constant 0 : i32
      %cond3A_246 = arith.cmpi ne, %convert_element_type3A, %cond3A : i32
      scf.if %cond3A_246 {
        %add3A_424 = arith.constant 6 : i32
        %add3A_425 = arith.addi %add3A_227, %add3A_424 : i32
        %add3A_426 = arith.addi %mul3A_2, %add3A_425 : i32
        %dma_start3A_427 = arith.constant 0 : i32
        %dma_start3A_428 = arith.constant 0 : i32
        %dma_start3A_429 = arith.constant 0 : i32
        %dma_start3A_430 = tpu.memref_slice %arg6[%dma_start3A_427, %dma_start3A_428, %dma_start3A_429] : memref<6x2x120xi32, #tpu.memory_space<vmem>> -> memref<1x2x120xi32, #tpu.memory_space<vmem>>
        %dma_start3A_431 = tpu.memref_squeeze %dma_start3A_430 : memref<1x2x120xi32, #tpu.memory_space<vmem>> -> memref<2x120xi32, #tpu.memory_space<vmem>>
        %dma_start3A_432 = arith.constant 0 : i32
        %dma_start3A_433 = arith.constant 0 : i32
        %dma_start3A_434 = tpu.memref_slice %arg2[%add3A_426, %dma_start3A_432, %dma_start3A_433] : memref<2688x2x120xi32, #tpu.memory_space<hbm>> -> memref<1x2x120xi32, #tpu.memory_space<hbm>>
        %dma_start3A_435 = tpu.memref_squeeze %dma_start3A_434 : memref<1x2x120xi32, #tpu.memory_space<hbm>> -> memref<2x120xi32, #tpu.memory_space<hbm>>
        %dma_start3A_436 = arith.constant 0 : i32
        %dma_start3A_437 = arith.constant 0 : i32
        %dma_start3A_438 = tpu.memref_slice %arg6[%dma_start3A_427, %dma_start3A_436, %dma_start3A_437] : memref<6x2x120xi32, #tpu.memory_space<vmem>> -> memref<1x2x120xi32, #tpu.memory_space<vmem>>
        %dma_start3A_439 = tpu.memref_squeeze %dma_start3A_438 : memref<1x2x120xi32, #tpu.memory_space<vmem>> -> memref<2x120xi32, #tpu.memory_space<vmem>>
        %dma_start3A_440 = arith.constant 0 : i32
        %dma_start3A_441 = arith.constant 0 : i32
        %dma_start3A_442 = tpu.memref_slice %arg2[%add3A_426, %dma_start3A_440, %dma_start3A_441] : memref<2688x2x120xi32, #tpu.memory_space<hbm>> -> memref<1x2x120xi32, #tpu.memory_space<hbm>>
        %dma_start3A_443 = tpu.memref_squeeze %dma_start3A_442 : memref<1x2x120xi32, #tpu.memory_space<hbm>> -> memref<2x120xi32, #tpu.memory_space<hbm>>
        tpu.enqueue_dma source(%dma_start3A_443 : memref<2x120xi32, #tpu.memory_space<hbm>>) target(%dma_start3A_439 : memref<2x120xi32, #tpu.memory_space<vmem>>) target_semaphore(%arg12 : memref<!tpu.dma_semaphore, #tpu.memory_space<semaphore_mem>>)
      } else {
      }
      %add3A_247 = arith.constant 3 : i32
      %add3A_248 = arith.addi %add3A_227, %add3A_247 : i32
      %lt3A_249 = arith.constant 84 : i32
      %lt3A_250 = arith.cmpi slt, %add3A_248, %lt3A_249 : i32
      %convert_element_type3A_251 = arith.extui %lt3A_250 : i1 to i32
      %cond3A_252 = arith.constant 0 : i32
      %cond3A_253 = arith.cmpi ne, %convert_element_type3A_251, %cond3A_252 : i32
      scf.if %cond3A_253 {
        %add3A_424 = arith.constant 3 : i32
        %add3A_425 = arith.addi %add3A_227, %add3A_424 : i32
        %add3A_426 = arith.addi %mul3A_2, %add3A_425 : i32
        %dma_wait3A_427 = arith.constant 3 : i32
        %dma_wait3A_428 = arith.constant 0 : i32
        %dma_wait3A_429 = arith.constant 0 : i32
        %dma_wait3A_430 = tpu.memref_slice %arg6[%dma_wait3A_427, %dma_wait3A_428, %dma_wait3A_429] : memref<6x2x120xi32, #tpu.memory_space<vmem>> -> memref<1x2x120xi32, #tpu.memory_space<vmem>>
        %dma_wait3A_431 = tpu.memref_squeeze %dma_wait3A_430 : memref<1x2x120xi32, #tpu.memory_space<vmem>> -> memref<2x120xi32, #tpu.memory_space<vmem>>
        %dma_wait3A_432 = arith.constant 0 : i32
        %dma_wait3A_433 = arith.constant 0 : i32
        %dma_wait3A_434 = tpu.memref_slice %arg2[%add3A_426, %dma_wait3A_432, %dma_wait3A_433] : memref<2688x2x120xi32, #tpu.memory_space<hbm>> -> memref<1x2x120xi32, #tpu.memory_space<hbm>>
        %dma_wait3A_435 = tpu.memref_squeeze %dma_wait3A_434 : memref<1x2x120xi32, #tpu.memory_space<hbm>> -> memref<2x120xi32, #tpu.memory_space<hbm>>
        %dma_wait3A_436 = arith.constant 0 : i32
        %dma_wait3A_437 = arith.constant 0 : i32
        %dma_wait3A_438 = tpu.memref_slice %arg6[%dma_wait3A_427, %dma_wait3A_436, %dma_wait3A_437] : memref<6x2x120xi32, #tpu.memory_space<vmem>> -> memref<1x2x120xi32, #tpu.memory_space<vmem>>
        %dma_wait3A_439 = tpu.memref_squeeze %dma_wait3A_438 : memref<1x2x120xi32, #tpu.memory_space<vmem>> -> memref<2x120xi32, #tpu.memory_space<vmem>>
        %dma_wait3A_440 = arith.constant 0 : i32
        %dma_wait3A_441 = arith.constant 0 : i32
        %dma_wait3A_442 = tpu.memref_slice %arg2[%add3A_426, %dma_wait3A_440, %dma_wait3A_441] : memref<2688x2x120xi32, #tpu.memory_space<hbm>> -> memref<1x2x120xi32, #tpu.memory_space<hbm>>
        %dma_wait3A_443 = tpu.memref_squeeze %dma_wait3A_442 : memref<1x2x120xi32, #tpu.memory_space<hbm>> -> memref<2x120xi32, #tpu.memory_space<hbm>>
        tpu.wait_dma2 semaphore(%arg15 : memref<!tpu.dma_semaphore, #tpu.memory_space<semaphore_mem>>) src(%dma_wait3A_443 : memref<2x120xi32, #tpu.memory_space<hbm>>) dst(%dma_wait3A_439 : memref<2x120xi32, #tpu.memory_space<vmem>>)
        %add3A_444 = arith.constant 3 : i32
        %add3A_445 = arith.addi %add3A_227, %add3A_444 : i32
        %dma_start3A_446 = arith.constant 3 : i32
        %dma_start3A_447 = arith.constant 0 : i32
        %dma_start3A_448 = arith.constant 0 : i32
        %dma_start3A_449 = arith.constant 0 : i32
        %dma_start3A_450 = arith.constant 0 : i32
        %dma_start3A_451 = tpu.memref_slice %arg7[%dma_start3A_448, %dma_start3A_449, %dma_start3A_450] : memref<3x120x128xf32, #tpu.memory_space<vmem>> -> memref<1x120x128xf32, #tpu.memory_space<vmem>>
        %dma_start3A_452 = tpu.memref_squeeze %dma_start3A_451 : memref<1x120x128xf32, #tpu.memory_space<vmem>> -> memref<120x128xf32, #tpu.memory_space<vmem>>
        %dma_start3A_453 = arith.constant 0 : i32
        %dma_start3A_454 = tpu.memref_slice %arg6[%dma_start3A_446, %dma_start3A_447, %dma_start3A_453] : memref<6x2x120xi32, #tpu.memory_space<vmem>> -> memref<1x1x120xi32, #tpu.memory_space<vmem>>
        %dma_start3A_455 = tpu.memref_squeeze %dma_start3A_454 : memref<1x1x120xi32, #tpu.memory_space<vmem>> -> memref<120xi32, #tpu.memory_space<vmem>>
        %dma_start3A_456 = arith.constant 0 : i32
        %dma_start3A_457 = arith.constant 0 : i32
        %dma_start3A_458 = tpu.memref_slice %arg3[%dma_start3A_456, %dma_start3A_457] : memref<10000x128xf32, #tpu.memory_space<hbm>> -> memref<10000x128xf32, #tpu.memory_space<hbm>>
        tpu.enqueue_indirect_dma source(%dma_start3A_458 : memref<10000x128xf32, #tpu.memory_space<hbm>>) target(%dma_start3A_452 : memref<120x128xf32, #tpu.memory_space<vmem>>) offsets(%dma_start3A_455 : memref<120xi32, #tpu.memory_space<vmem>>) semaphore(%arg9 : memref<!tpu.dma_semaphore, #tpu.memory_space<semaphore_mem>>)
      } else {
      }
      %mul3A_254 = arith.constant 6 : i32
      %mul3A_255 = arith.muli %scan3A_223, %mul3A_254 : i32
      %add3A_256 = arith.constant 1 : i32
      %add3A_257 = arith.addi %mul3A_255, %add3A_256 : i32
      %dma_wait3A_258 = arith.constant 1 : i32
      %dma_wait3A_259 = arith.constant 0 : i32
      %dma_wait3A_260 = arith.constant 1 : i32
      %dma_wait3A_261 = arith.constant 0 : i32
      %dma_wait3A_262 = arith.constant 0 : i32
      %dma_wait3A_263 = tpu.memref_slice %arg7[%dma_wait3A_260, %dma_wait3A_261, %dma_wait3A_262] : memref<3x120x128xf32, #tpu.memory_space<vmem>> -> memref<1x120x128xf32, #tpu.memory_space<vmem>>
      %dma_wait3A_264 = tpu.memref_squeeze %dma_wait3A_263 : memref<1x120x128xf32, #tpu.memory_space<vmem>> -> memref<120x128xf32, #tpu.memory_space<vmem>>
      %dma_wait3A_265 = arith.constant 0 : i32
      %dma_wait3A_266 = tpu.memref_slice %arg6[%dma_wait3A_258, %dma_wait3A_259, %dma_wait3A_265] : memref<6x2x120xi32, #tpu.memory_space<vmem>> -> memref<1x1x120xi32, #tpu.memory_space<vmem>>
      %dma_wait3A_267 = tpu.memref_squeeze %dma_wait3A_266 : memref<1x1x120xi32, #tpu.memory_space<vmem>> -> memref<120xi32, #tpu.memory_space<vmem>>
      %dma_wait3A_268 = arith.constant 0 : i32
      %dma_wait3A_269 = arith.constant 0 : i32
      %dma_wait3A_270 = tpu.memref_slice %arg3[%dma_wait3A_268, %dma_wait3A_269] : memref<10000x128xf32, #tpu.memory_space<hbm>> -> memref<10000x128xf32, #tpu.memory_space<hbm>>
      tpu.wait_indirect_dma semaphore(%arg10 : memref<!tpu.dma_semaphore, #tpu.memory_space<semaphore_mem>>) src(%dma_wait3A_270 : memref<10000x128xf32, #tpu.memory_space<hbm>>) dst(%dma_wait3A_264 : memref<120x128xf32, #tpu.memory_space<vmem>>)
      %run_scoped3A_271 = arith.constant 1 : i32
      %run_scoped3A_272 = arith.constant 1 : i32
      %run_scoped3A_273 = arith.constant 1 : i32
      "tpu.region"() ({
        %run_scoped3A_424 = tpu.sem_alloc : memref<!tpu.dma_semaphore, #tpu.memory_space<semaphore_mem>>
        %dma_start3A_425 = arith.constant 0 : i32
        %dma_start3A_426 = arith.constant 0 : i32
        %dma_start3A_427 = tpu.memref_slice %arg7[%run_scoped3A_271, %dma_start3A_425, %dma_start3A_426] : memref<3x120x128xf32, #tpu.memory_space<vmem>> -> memref<1x120x128xf32, #tpu.memory_space<vmem>>
        %dma_start3A_428 = tpu.memref_squeeze %dma_start3A_427 : memref<1x120x128xf32, #tpu.memory_space<vmem>> -> memref<120x128xf32, #tpu.memory_space<vmem>>
        %dma_start3A_429 = arith.constant 0 : i32
        %dma_start3A_430 = tpu.memref_slice %arg6[%run_scoped3A_272, %run_scoped3A_273, %dma_start3A_429] : memref<6x2x120xi32, #tpu.memory_space<vmem>> -> memref<1x1x120xi32, #tpu.memory_space<vmem>>
        %dma_start3A_431 = tpu.memref_squeeze %dma_start3A_430 : memref<1x1x120xi32, #tpu.memory_space<vmem>> -> memref<120xi32, #tpu.memory_space<vmem>>
        %dma_start3A_432 = arith.constant 0 : i32
        %dma_start3A_433 = arith.constant 0 : i32
        %dma_start3A_434 = tpu.memref_slice %arg8[%dma_start3A_432, %dma_start3A_433] : memref<10240x128xf32, #tpu.memory_space<vmem_shared>> -> memref<10240x128xf32, #tpu.memory_space<vmem_shared>>
        tpu.enqueue_indirect_dma source(%dma_start3A_428 : memref<120x128xf32, #tpu.memory_space<vmem>>) target(%dma_start3A_434 : memref<10240x128xf32, #tpu.memory_space<vmem_shared>>) offsets(%dma_start3A_431 : memref<120xi32, #tpu.memory_space<vmem>>) semaphore(%run_scoped3A_424 : memref<!tpu.dma_semaphore, #tpu.memory_space<semaphore_mem>>) {add = true}
        %dma_wait3A_435 = arith.constant 0 : i32
        %dma_wait3A_436 = arith.constant 0 : i32
        %dma_wait3A_437 = tpu.memref_slice %arg7[%run_scoped3A_271, %dma_wait3A_435, %dma_wait3A_436] : memref<3x120x128xf32, #tpu.memory_space<vmem>> -> memref<1x120x128xf32, #tpu.memory_space<vmem>>
        %dma_wait3A_438 = tpu.memref_squeeze %dma_wait3A_437 : memref<1x120x128xf32, #tpu.memory_space<vmem>> -> memref<120x128xf32, #tpu.memory_space<vmem>>
        %dma_wait3A_439 = arith.constant 0 : i32
        %dma_wait3A_440 = tpu.memref_slice %arg6[%run_scoped3A_272, %run_scoped3A_273, %dma_wait3A_439] : memref<6x2x120xi32, #tpu.memory_space<vmem>> -> memref<1x1x120xi32, #tpu.memory_space<vmem>>
        %dma_wait3A_441 = tpu.memref_squeeze %dma_wait3A_440 : memref<1x1x120xi32, #tpu.memory_space<vmem>> -> memref<120xi32, #tpu.memory_space<vmem>>
        %dma_wait3A_442 = arith.constant 0 : i32
        %dma_wait3A_443 = arith.constant 0 : i32
        %dma_wait3A_444 = tpu.memref_slice %arg8[%dma_wait3A_442, %dma_wait3A_443] : memref<10240x128xf32, #tpu.memory_space<vmem_shared>> -> memref<10240x128xf32, #tpu.memory_space<vmem_shared>>
        tpu.wait_indirect_dma semaphore(%run_scoped3A_424 : memref<!tpu.dma_semaphore, #tpu.memory_space<semaphore_mem>>) src(%dma_wait3A_438 : memref<120x128xf32, #tpu.memory_space<vmem>>) dst(%dma_wait3A_444 : memref<10240x128xf32, #tpu.memory_space<vmem_shared>>)
        tpu.yield
      }) : () -> ()
      %add3A_274 = arith.constant 6 : i32
      %add3A_275 = arith.addi %add3A_257, %add3A_274 : i32
      %lt3A_276 = arith.constant 84 : i32
      %lt3A_277 = arith.cmpi slt, %add3A_275, %lt3A_276 : i32
      %convert_element_type3A_278 = arith.extui %lt3A_277 : i1 to i32
      %cond3A_279 = arith.constant 0 : i32
      %cond3A_280 = arith.cmpi ne, %convert_element_type3A_278, %cond3A_279 : i32
      scf.if %cond3A_280 {
        %add3A_424 = arith.constant 6 : i32
        %add3A_425 = arith.addi %add3A_257, %add3A_424 : i32
        %add3A_426 = arith.addi %mul3A_2, %add3A_425 : i32
        %dma_start3A_427 = arith.constant 1 : i32
        %dma_start3A_428 = arith.constant 0 : i32
        %dma_start3A_429 = arith.constant 0 : i32
        %dma_start3A_430 = tpu.memref_slice %arg6[%dma_start3A_427, %dma_start3A_428, %dma_start3A_429] : memref<6x2x120xi32, #tpu.memory_space<vmem>> -> memref<1x2x120xi32, #tpu.memory_space<vmem>>
        %dma_start3A_431 = tpu.memref_squeeze %dma_start3A_430 : memref<1x2x120xi32, #tpu.memory_space<vmem>> -> memref<2x120xi32, #tpu.memory_space<vmem>>
        %dma_start3A_432 = arith.constant 0 : i32
        %dma_start3A_433 = arith.constant 0 : i32
        %dma_start3A_434 = tpu.memref_slice %arg2[%add3A_426, %dma_start3A_432, %dma_start3A_433] : memref<2688x2x120xi32, #tpu.memory_space<hbm>> -> memref<1x2x120xi32, #tpu.memory_space<hbm>>
        %dma_start3A_435 = tpu.memref_squeeze %dma_start3A_434 : memref<1x2x120xi32, #tpu.memory_space<hbm>> -> memref<2x120xi32, #tpu.memory_space<hbm>>
        %dma_start3A_436 = arith.constant 0 : i32
        %dma_start3A_437 = arith.constant 0 : i32
        %dma_start3A_438 = tpu.memref_slice %arg6[%dma_start3A_427, %dma_start3A_436, %dma_start3A_437] : memref<6x2x120xi32, #tpu.memory_space<vmem>> -> memref<1x2x120xi32, #tpu.memory_space<vmem>>
        %dma_start3A_439 = tpu.memref_squeeze %dma_start3A_438 : memref<1x2x120xi32, #tpu.memory_space<vmem>> -> memref<2x120xi32, #tpu.memory_space<vmem>>
        %dma_start3A_440 = arith.constant 0 : i32
        %dma_start3A_441 = arith.constant 0 : i32
        %dma_start3A_442 = tpu.memref_slice %arg2[%add3A_426, %dma_start3A_440, %dma_start3A_441] : memref<2688x2x120xi32, #tpu.memory_space<hbm>> -> memref<1x2x120xi32, #tpu.memory_space<hbm>>
        %dma_start3A_443 = tpu.memref_squeeze %dma_start3A_442 : memref<1x2x120xi32, #tpu.memory_space<hbm>> -> memref<2x120xi32, #tpu.memory_space<hbm>>
        tpu.enqueue_dma source(%dma_start3A_443 : memref<2x120xi32, #tpu.memory_space<hbm>>) target(%dma_start3A_439 : memref<2x120xi32, #tpu.memory_space<vmem>>) target_semaphore(%arg13 : memref<!tpu.dma_semaphore, #tpu.memory_space<semaphore_mem>>)
      } else {
      }
      %add3A_281 = arith.constant 3 : i32
      %add3A_282 = arith.addi %add3A_257, %add3A_281 : i32
      %lt3A_283 = arith.constant 84 : i32
      %lt3A_284 = arith.cmpi slt, %add3A_282, %lt3A_283 : i32
      %convert_element_type3A_285 = arith.extui %lt3A_284 : i1 to i32
      %cond3A_286 = arith.constant 0 : i32
      %cond3A_287 = arith.cmpi ne, %convert_element_type3A_285, %cond3A_286 : i32
      scf.if %cond3A_287 {
        %add3A_424 = arith.constant 3 : i32
        %add3A_425 = arith.addi %add3A_257, %add3A_424 : i32
        %add3A_426 = arith.addi %mul3A_2, %add3A_425 : i32
        %dma_wait3A_427 = arith.constant 4 : i32
        %dma_wait3A_428 = arith.constant 0 : i32
        %dma_wait3A_429 = arith.constant 0 : i32
        %dma_wait3A_430 = tpu.memref_slice %arg6[%dma_wait3A_427, %dma_wait3A_428, %dma_wait3A_429] : memref<6x2x120xi32, #tpu.memory_space<vmem>> -> memref<1x2x120xi32, #tpu.memory_space<vmem>>
        %dma_wait3A_431 = tpu.memref_squeeze %dma_wait3A_430 : memref<1x2x120xi32, #tpu.memory_space<vmem>> -> memref<2x120xi32, #tpu.memory_space<vmem>>
        %dma_wait3A_432 = arith.constant 0 : i32
        %dma_wait3A_433 = arith.constant 0 : i32
        %dma_wait3A_434 = tpu.memref_slice %arg2[%add3A_426, %dma_wait3A_432, %dma_wait3A_433] : memref<2688x2x120xi32, #tpu.memory_space<hbm>> -> memref<1x2x120xi32, #tpu.memory_space<hbm>>
        %dma_wait3A_435 = tpu.memref_squeeze %dma_wait3A_434 : memref<1x2x120xi32, #tpu.memory_space<hbm>> -> memref<2x120xi32, #tpu.memory_space<hbm>>
        %dma_wait3A_436 = arith.constant 0 : i32
        %dma_wait3A_437 = arith.constant 0 : i32
        %dma_wait3A_438 = tpu.memref_slice %arg6[%dma_wait3A_427, %dma_wait3A_436, %dma_wait3A_437] : memref<6x2x120xi32, #tpu.memory_space<vmem>> -> memref<1x2x120xi32, #tpu.memory_space<vmem>>
        %dma_wait3A_439 = tpu.memref_squeeze %dma_wait3A_438 : memref<1x2x120xi32, #tpu.memory_space<vmem>> -> memref<2x120xi32, #tpu.memory_space<vmem>>
        %dma_wait3A_440 = arith.constant 0 : i32
        %dma_wait3A_441 = arith.constant 0 : i32
        %dma_wait3A_442 = tpu.memref_slice %arg2[%add3A_426, %dma_wait3A_440, %dma_wait3A_441] : memref<2688x2x120xi32, #tpu.memory_space<hbm>> -> memref<1x2x120xi32, #tpu.memory_space<hbm>>
        %dma_wait3A_443 = tpu.memref_squeeze %dma_wait3A_442 : memref<1x2x120xi32, #tpu.memory_space<hbm>> -> memref<2x120xi32, #tpu.memory_space<hbm>>
        tpu.wait_dma2 semaphore(%arg16 : memref<!tpu.dma_semaphore, #tpu.memory_space<semaphore_mem>>) src(%dma_wait3A_443 : memref<2x120xi32, #tpu.memory_space<hbm>>) dst(%dma_wait3A_439 : memref<2x120xi32, #tpu.memory_space<vmem>>)
        %add3A_444 = arith.constant 3 : i32
        %add3A_445 = arith.addi %add3A_257, %add3A_444 : i32
        %dma_start3A_446 = arith.constant 4 : i32
        %dma_start3A_447 = arith.constant 0 : i32
        %dma_start3A_448 = arith.constant 1 : i32
        %dma_start3A_449 = arith.constant 0 : i32
        %dma_start3A_450 = arith.constant 0 : i32
        %dma_start3A_451 = tpu.memref_slice %arg7[%dma_start3A_448, %dma_start3A_449, %dma_start3A_450] : memref<3x120x128xf32, #tpu.memory_space<vmem>> -> memref<1x120x128xf32, #tpu.memory_space<vmem>>
        %dma_start3A_452 = tpu.memref_squeeze %dma_start3A_451 : memref<1x120x128xf32, #tpu.memory_space<vmem>> -> memref<120x128xf32, #tpu.memory_space<vmem>>
        %dma_start3A_453 = arith.constant 0 : i32
        %dma_start3A_454 = tpu.memref_slice %arg6[%dma_start3A_446, %dma_start3A_447, %dma_start3A_453] : memref<6x2x120xi32, #tpu.memory_space<vmem>> -> memref<1x1x120xi32, #tpu.memory_space<vmem>>
        %dma_start3A_455 = tpu.memref_squeeze %dma_start3A_454 : memref<1x1x120xi32, #tpu.memory_space<vmem>> -> memref<120xi32, #tpu.memory_space<vmem>>
        %dma_start3A_456 = arith.constant 0 : i32
        %dma_start3A_457 = arith.constant 0 : i32
        %dma_start3A_458 = tpu.memref_slice %arg3[%dma_start3A_456, %dma_start3A_457] : memref<10000x128xf32, #tpu.memory_space<hbm>> -> memref<10000x128xf32, #tpu.memory_space<hbm>>
        tpu.enqueue_indirect_dma source(%dma_start3A_458 : memref<10000x128xf32, #tpu.memory_space<hbm>>) target(%dma_start3A_452 : memref<120x128xf32, #tpu.memory_space<vmem>>) offsets(%dma_start3A_455 : memref<120xi32, #tpu.memory_space<vmem>>) semaphore(%arg10 : memref<!tpu.dma_semaphore, #tpu.memory_space<semaphore_mem>>)
      } else {
      }
      %mul3A_288 = arith.constant 6 : i32
      %mul3A_289 = arith.muli %scan3A_223, %mul3A_288 : i32
      %add3A_290 = arith.constant 2 : i32
      %add3A_291 = arith.addi %mul3A_289, %add3A_290 : i32
      %dma_wait3A_292 = arith.constant 2 : i32
      %dma_wait3A_293 = arith.constant 0 : i32
      %dma_wait3A_294 = arith.constant 2 : i32
      %dma_wait3A_295 = arith.constant 0 : i32
      %dma_wait3A_296 = arith.constant 0 : i32
      %dma_wait3A_297 = tpu.memref_slice %arg7[%dma_wait3A_294, %dma_wait3A_295, %dma_wait3A_296] : memref<3x120x128xf32, #tpu.memory_space<vmem>> -> memref<1x120x128xf32, #tpu.memory_space<vmem>>
      %dma_wait3A_298 = tpu.memref_squeeze %dma_wait3A_297 : memref<1x120x128xf32, #tpu.memory_space<vmem>> -> memref<120x128xf32, #tpu.memory_space<vmem>>
      %dma_wait3A_299 = arith.constant 0 : i32
      %dma_wait3A_300 = tpu.memref_slice %arg6[%dma_wait3A_292, %dma_wait3A_293, %dma_wait3A_299] : memref<6x2x120xi32, #tpu.memory_space<vmem>> -> memref<1x1x120xi32, #tpu.memory_space<vmem>>
      %dma_wait3A_301 = tpu.memref_squeeze %dma_wait3A_300 : memref<1x1x120xi32, #tpu.memory_space<vmem>> -> memref<120xi32, #tpu.memory_space<vmem>>
      %dma_wait3A_302 = arith.constant 0 : i32
      %dma_wait3A_303 = arith.constant 0 : i32
      %dma_wait3A_304 = tpu.memref_slice %arg3[%dma_wait3A_302, %dma_wait3A_303] : memref<10000x128xf32, #tpu.memory_space<hbm>> -> memref<10000x128xf32, #tpu.memory_space<hbm>>
      tpu.wait_indirect_dma semaphore(%arg11 : memref<!tpu.dma_semaphore, #tpu.memory_space<semaphore_mem>>) src(%dma_wait3A_304 : memref<10000x128xf32, #tpu.memory_space<hbm>>) dst(%dma_wait3A_298 : memref<120x128xf32, #tpu.memory_space<vmem>>)
      %run_scoped3A_305 = arith.constant 2 : i32
      %run_scoped3A_306 = arith.constant 2 : i32
      %run_scoped3A_307 = arith.constant 1 : i32
      "tpu.region"() ({
        %run_scoped3A_424 = tpu.sem_alloc : memref<!tpu.dma_semaphore, #tpu.memory_space<semaphore_mem>>
        %dma_start3A_425 = arith.constant 0 : i32
        %dma_start3A_426 = arith.constant 0 : i32
        %dma_start3A_427 = tpu.memref_slice %arg7[%run_scoped3A_305, %dma_start3A_425, %dma_start3A_426] : memref<3x120x128xf32, #tpu.memory_space<vmem>> -> memref<1x120x128xf32, #tpu.memory_space<vmem>>
        %dma_start3A_428 = tpu.memref_squeeze %dma_start3A_427 : memref<1x120x128xf32, #tpu.memory_space<vmem>> -> memref<120x128xf32, #tpu.memory_space<vmem>>
        %dma_start3A_429 = arith.constant 0 : i32
        %dma_start3A_430 = tpu.memref_slice %arg6[%run_scoped3A_306, %run_scoped3A_307, %dma_start3A_429] : memref<6x2x120xi32, #tpu.memory_space<vmem>> -> memref<1x1x120xi32, #tpu.memory_space<vmem>>
        %dma_start3A_431 = tpu.memref_squeeze %dma_start3A_430 : memref<1x1x120xi32, #tpu.memory_space<vmem>> -> memref<120xi32, #tpu.memory_space<vmem>>
        %dma_start3A_432 = arith.constant 0 : i32
        %dma_start3A_433 = arith.constant 0 : i32
        %dma_start3A_434 = tpu.memref_slice %arg8[%dma_start3A_432, %dma_start3A_433] : memref<10240x128xf32, #tpu.memory_space<vmem_shared>> -> memref<10240x128xf32, #tpu.memory_space<vmem_shared>>
        tpu.enqueue_indirect_dma source(%dma_start3A_428 : memref<120x128xf32, #tpu.memory_space<vmem>>) target(%dma_start3A_434 : memref<10240x128xf32, #tpu.memory_space<vmem_shared>>) offsets(%dma_start3A_431 : memref<120xi32, #tpu.memory_space<vmem>>) semaphore(%run_scoped3A_424 : memref<!tpu.dma_semaphore, #tpu.memory_space<semaphore_mem>>) {add = true}
        %dma_wait3A_435 = arith.constant 0 : i32
        %dma_wait3A_436 = arith.constant 0 : i32
        %dma_wait3A_437 = tpu.memref_slice %arg7[%run_scoped3A_305, %dma_wait3A_435, %dma_wait3A_436] : memref<3x120x128xf32, #tpu.memory_space<vmem>> -> memref<1x120x128xf32, #tpu.memory_space<vmem>>
        %dma_wait3A_438 = tpu.memref_squeeze %dma_wait3A_437 : memref<1x120x128xf32, #tpu.memory_space<vmem>> -> memref<120x128xf32, #tpu.memory_space<vmem>>
        %dma_wait3A_439 = arith.constant 0 : i32
        %dma_wait3A_440 = tpu.memref_slice %arg6[%run_scoped3A_306, %run_scoped3A_307, %dma_wait3A_439] : memref<6x2x120xi32, #tpu.memory_space<vmem>> -> memref<1x1x120xi32, #tpu.memory_space<vmem>>
        %dma_wait3A_441 = tpu.memref_squeeze %dma_wait3A_440 : memref<1x1x120xi32, #tpu.memory_space<vmem>> -> memref<120xi32, #tpu.memory_space<vmem>>
        %dma_wait3A_442 = arith.constant 0 : i32
        %dma_wait3A_443 = arith.constant 0 : i32
        %dma_wait3A_444 = tpu.memref_slice %arg8[%dma_wait3A_442, %dma_wait3A_443] : memref<10240x128xf32, #tpu.memory_space<vmem_shared>> -> memref<10240x128xf32, #tpu.memory_space<vmem_shared>>
        tpu.wait_indirect_dma semaphore(%run_scoped3A_424 : memref<!tpu.dma_semaphore, #tpu.memory_space<semaphore_mem>>) src(%dma_wait3A_438 : memref<120x128xf32, #tpu.memory_space<vmem>>) dst(%dma_wait3A_444 : memref<10240x128xf32, #tpu.memory_space<vmem_shared>>)
        tpu.yield
      }) : () -> ()
      %add3A_308 = arith.constant 6 : i32
      %add3A_309 = arith.addi %add3A_291, %add3A_308 : i32
      %lt3A_310 = arith.constant 84 : i32
      %lt3A_311 = arith.cmpi slt, %add3A_309, %lt3A_310 : i32
      %convert_element_type3A_312 = arith.extui %lt3A_311 : i1 to i32
      %cond3A_313 = arith.constant 0 : i32
      %cond3A_314 = arith.cmpi ne, %convert_element_type3A_312, %cond3A_313 : i32
      scf.if %cond3A_314 {
        %add3A_424 = arith.constant 6 : i32
        %add3A_425 = arith.addi %add3A_291, %add3A_424 : i32
        %add3A_426 = arith.addi %mul3A_2, %add3A_425 : i32
        %dma_start3A_427 = arith.constant 2 : i32
        %dma_start3A_428 = arith.constant 0 : i32
        %dma_start3A_429 = arith.constant 0 : i32
        %dma_start3A_430 = tpu.memref_slice %arg6[%dma_start3A_427, %dma_start3A_428, %dma_start3A_429] : memref<6x2x120xi32, #tpu.memory_space<vmem>> -> memref<1x2x120xi32, #tpu.memory_space<vmem>>
        %dma_start3A_431 = tpu.memref_squeeze %dma_start3A_430 : memref<1x2x120xi32, #tpu.memory_space<vmem>> -> memref<2x120xi32, #tpu.memory_space<vmem>>
        %dma_start3A_432 = arith.constant 0 : i32
        %dma_start3A_433 = arith.constant 0 : i32
        %dma_start3A_434 = tpu.memref_slice %arg2[%add3A_426, %dma_start3A_432, %dma_start3A_433] : memref<2688x2x120xi32, #tpu.memory_space<hbm>> -> memref<1x2x120xi32, #tpu.memory_space<hbm>>
        %dma_start3A_435 = tpu.memref_squeeze %dma_start3A_434 : memref<1x2x120xi32, #tpu.memory_space<hbm>> -> memref<2x120xi32, #tpu.memory_space<hbm>>
        %dma_start3A_436 = arith.constant 0 : i32
        %dma_start3A_437 = arith.constant 0 : i32
        %dma_start3A_438 = tpu.memref_slice %arg6[%dma_start3A_427, %dma_start3A_436, %dma_start3A_437] : memref<6x2x120xi32, #tpu.memory_space<vmem>> -> memref<1x2x120xi32, #tpu.memory_space<vmem>>
        %dma_start3A_439 = tpu.memref_squeeze %dma_start3A_438 : memref<1x2x120xi32, #tpu.memory_space<vmem>> -> memref<2x120xi32, #tpu.memory_space<vmem>>
        %dma_start3A_440 = arith.constant 0 : i32
        %dma_start3A_441 = arith.constant 0 : i32
        %dma_start3A_442 = tpu.memref_slice %arg2[%add3A_426, %dma_start3A_440, %dma_start3A_441] : memref<2688x2x120xi32, #tpu.memory_space<hbm>> -> memref<1x2x120xi32, #tpu.memory_space<hbm>>
        %dma_start3A_443 = tpu.memref_squeeze %dma_start3A_442 : memref<1x2x120xi32, #tpu.memory_space<hbm>> -> memref<2x120xi32, #tpu.memory_space<hbm>>
        tpu.enqueue_dma source(%dma_start3A_443 : memref<2x120xi32, #tpu.memory_space<hbm>>) target(%dma_start3A_439 : memref<2x120xi32, #tpu.memory_space<vmem>>) target_semaphore(%arg14 : memref<!tpu.dma_semaphore, #tpu.memory_space<semaphore_mem>>)
      } else {
      }
      %add3A_315 = arith.constant 3 : i32
      %add3A_316 = arith.addi %add3A_291, %add3A_315 : i32
      %lt3A_317 = arith.constant 84 : i32
      %lt3A_318 = arith.cmpi slt, %add3A_316, %lt3A_317 : i32
      %convert_element_type3A_319 = arith.extui %lt3A_318 : i1 to i32
      %cond3A_320 = arith.constant 0 : i32
      %cond3A_321 = arith.cmpi ne, %convert_element_type3A_319, %cond3A_320 : i32
      scf.if %cond3A_321 {
        %add3A_424 = arith.constant 3 : i32
        %add3A_425 = arith.addi %add3A_291, %add3A_424 : i32
        %add3A_426 = arith.addi %mul3A_2, %add3A_425 : i32
        %dma_wait3A_427 = arith.constant 5 : i32
        %dma_wait3A_428 = arith.constant 0 : i32
        %dma_wait3A_429 = arith.constant 0 : i32
        %dma_wait3A_430 = tpu.memref_slice %arg6[%dma_wait3A_427, %dma_wait3A_428, %dma_wait3A_429] : memref<6x2x120xi32, #tpu.memory_space<vmem>> -> memref<1x2x120xi32, #tpu.memory_space<vmem>>
        %dma_wait3A_431 = tpu.memref_squeeze %dma_wait3A_430 : memref<1x2x120xi32, #tpu.memory_space<vmem>> -> memref<2x120xi32, #tpu.memory_space<vmem>>
        %dma_wait3A_432 = arith.constant 0 : i32
        %dma_wait3A_433 = arith.constant 0 : i32
        %dma_wait3A_434 = tpu.memref_slice %arg2[%add3A_426, %dma_wait3A_432, %dma_wait3A_433] : memref<2688x2x120xi32, #tpu.memory_space<hbm>> -> memref<1x2x120xi32, #tpu.memory_space<hbm>>
        %dma_wait3A_435 = tpu.memref_squeeze %dma_wait3A_434 : memref<1x2x120xi32, #tpu.memory_space<hbm>> -> memref<2x120xi32, #tpu.memory_space<hbm>>
        %dma_wait3A_436 = arith.constant 0 : i32
        %dma_wait3A_437 = arith.constant 0 : i32
        %dma_wait3A_438 = tpu.memref_slice %arg6[%dma_wait3A_427, %dma_wait3A_436, %dma_wait3A_437] : memref<6x2x120xi32, #tpu.memory_space<vmem>> -> memref<1x2x120xi32, #tpu.memory_space<vmem>>
        %dma_wait3A_439 = tpu.memref_squeeze %dma_wait3A_438 : memref<1x2x120xi32, #tpu.memory_space<vmem>> -> memref<2x120xi32, #tpu.memory_space<vmem>>
        %dma_wait3A_440 = arith.constant 0 : i32
        %dma_wait3A_441 = arith.constant 0 : i32
        %dma_wait3A_442 = tpu.memref_slice %arg2[%add3A_426, %dma_wait3A_440, %dma_wait3A_441] : memref<2688x2x120xi32, #tpu.memory_space<hbm>> -> memref<1x2x120xi32, #tpu.memory_space<hbm>>
        %dma_wait3A_443 = tpu.memref_squeeze %dma_wait3A_442 : memref<1x2x120xi32, #tpu.memory_space<hbm>> -> memref<2x120xi32, #tpu.memory_space<hbm>>
        tpu.wait_dma2 semaphore(%arg17 : memref<!tpu.dma_semaphore, #tpu.memory_space<semaphore_mem>>) src(%dma_wait3A_443 : memref<2x120xi32, #tpu.memory_space<hbm>>) dst(%dma_wait3A_439 : memref<2x120xi32, #tpu.memory_space<vmem>>)
        %add3A_444 = arith.constant 3 : i32
        %add3A_445 = arith.addi %add3A_291, %add3A_444 : i32
        %dma_start3A_446 = arith.constant 5 : i32
        %dma_start3A_447 = arith.constant 0 : i32
        %dma_start3A_448 = arith.constant 2 : i32
        %dma_start3A_449 = arith.constant 0 : i32
        %dma_start3A_450 = arith.constant 0 : i32
        %dma_start3A_451 = tpu.memref_slice %arg7[%dma_start3A_448, %dma_start3A_449, %dma_start3A_450] : memref<3x120x128xf32, #tpu.memory_space<vmem>> -> memref<1x120x128xf32, #tpu.memory_space<vmem>>
        %dma_start3A_452 = tpu.memref_squeeze %dma_start3A_451 : memref<1x120x128xf32, #tpu.memory_space<vmem>> -> memref<120x128xf32, #tpu.memory_space<vmem>>
        %dma_start3A_453 = arith.constant 0 : i32
        %dma_start3A_454 = tpu.memref_slice %arg6[%dma_start3A_446, %dma_start3A_447, %dma_start3A_453] : memref<6x2x120xi32, #tpu.memory_space<vmem>> -> memref<1x1x120xi32, #tpu.memory_space<vmem>>
        %dma_start3A_455 = tpu.memref_squeeze %dma_start3A_454 : memref<1x1x120xi32, #tpu.memory_space<vmem>> -> memref<120xi32, #tpu.memory_space<vmem>>
        %dma_start3A_456 = arith.constant 0 : i32
        %dma_start3A_457 = arith.constant 0 : i32
        %dma_start3A_458 = tpu.memref_slice %arg3[%dma_start3A_456, %dma_start3A_457] : memref<10000x128xf32, #tpu.memory_space<hbm>> -> memref<10000x128xf32, #tpu.memory_space<hbm>>
        tpu.enqueue_indirect_dma source(%dma_start3A_458 : memref<10000x128xf32, #tpu.memory_space<hbm>>) target(%dma_start3A_452 : memref<120x128xf32, #tpu.memory_space<vmem>>) offsets(%dma_start3A_455 : memref<120xi32, #tpu.memory_space<vmem>>) semaphore(%arg11 : memref<!tpu.dma_semaphore, #tpu.memory_space<semaphore_mem>>)
      } else {
      }
      %mul3A_322 = arith.constant 6 : i32
      %mul3A_323 = arith.muli %scan3A_223, %mul3A_322 : i32
      %add3A_324 = arith.constant 3 : i32
      %add3A_325 = arith.addi %mul3A_323, %add3A_324 : i32
      %dma_wait3A_326 = arith.constant 3 : i32
      %dma_wait3A_327 = arith.constant 0 : i32
      %dma_wait3A_328 = arith.constant 0 : i32
      %dma_wait3A_329 = arith.constant 0 : i32
      %dma_wait3A_330 = arith.constant 0 : i32
      %dma_wait3A_331 = tpu.memref_slice %arg7[%dma_wait3A_328, %dma_wait3A_329, %dma_wait3A_330] : memref<3x120x128xf32, #tpu.memory_space<vmem>> -> memref<1x120x128xf32, #tpu.memory_space<vmem>>
      %dma_wait3A_332 = tpu.memref_squeeze %dma_wait3A_331 : memref<1x120x128xf32, #tpu.memory_space<vmem>> -> memref<120x128xf32, #tpu.memory_space<vmem>>
      %dma_wait3A_333 = arith.constant 0 : i32
      %dma_wait3A_334 = tpu.memref_slice %arg6[%dma_wait3A_326, %dma_wait3A_327, %dma_wait3A_333] : memref<6x2x120xi32, #tpu.memory_space<vmem>> -> memref<1x1x120xi32, #tpu.memory_space<vmem>>
      %dma_wait3A_335 = tpu.memref_squeeze %dma_wait3A_334 : memref<1x1x120xi32, #tpu.memory_space<vmem>> -> memref<120xi32, #tpu.memory_space<vmem>>
      %dma_wait3A_336 = arith.constant 0 : i32
      %dma_wait3A_337 = arith.constant 0 : i32
      %dma_wait3A_338 = tpu.memref_slice %arg3[%dma_wait3A_336, %dma_wait3A_337] : memref<10000x128xf32, #tpu.memory_space<hbm>> -> memref<10000x128xf32, #tpu.memory_space<hbm>>
      tpu.wait_indirect_dma semaphore(%arg9 : memref<!tpu.dma_semaphore, #tpu.memory_space<semaphore_mem>>) src(%dma_wait3A_338 : memref<10000x128xf32, #tpu.memory_space<hbm>>) dst(%dma_wait3A_332 : memref<120x128xf32, #tpu.memory_space<vmem>>)
      %run_scoped3A_339 = arith.constant 0 : i32
      %run_scoped3A_340 = arith.constant 3 : i32
      %run_scoped3A_341 = arith.constant 1 : i32
      "tpu.region"() ({
        %run_scoped3A_424 = tpu.sem_alloc : memref<!tpu.dma_semaphore, #tpu.memory_space<semaphore_mem>>
        %dma_start3A_425 = arith.constant 0 : i32
        %dma_start3A_426 = arith.constant 0 : i32
        %dma_start3A_427 = tpu.memref_slice %arg7[%run_scoped3A_339, %dma_start3A_425, %dma_start3A_426] : memref<3x120x128xf32, #tpu.memory_space<vmem>> -> memref<1x120x128xf32, #tpu.memory_space<vmem>>
        %dma_start3A_428 = tpu.memref_squeeze %dma_start3A_427 : memref<1x120x128xf32, #tpu.memory_space<vmem>> -> memref<120x128xf32, #tpu.memory_space<vmem>>
        %dma_start3A_429 = arith.constant 0 : i32
        %dma_start3A_430 = tpu.memref_slice %arg6[%run_scoped3A_340, %run_scoped3A_341, %dma_start3A_429] : memref<6x2x120xi32, #tpu.memory_space<vmem>> -> memref<1x1x120xi32, #tpu.memory_space<vmem>>
        %dma_start3A_431 = tpu.memref_squeeze %dma_start3A_430 : memref<1x1x120xi32, #tpu.memory_space<vmem>> -> memref<120xi32, #tpu.memory_space<vmem>>
        %dma_start3A_432 = arith.constant 0 : i32
        %dma_start3A_433 = arith.constant 0 : i32
        %dma_start3A_434 = tpu.memref_slice %arg8[%dma_start3A_432, %dma_start3A_433] : memref<10240x128xf32, #tpu.memory_space<vmem_shared>> -> memref<10240x128xf32, #tpu.memory_space<vmem_shared>>
        tpu.enqueue_indirect_dma source(%dma_start3A_428 : memref<120x128xf32, #tpu.memory_space<vmem>>) target(%dma_start3A_434 : memref<10240x128xf32, #tpu.memory_space<vmem_shared>>) offsets(%dma_start3A_431 : memref<120xi32, #tpu.memory_space<vmem>>) semaphore(%run_scoped3A_424 : memref<!tpu.dma_semaphore, #tpu.memory_space<semaphore_mem>>) {add = true}
        %dma_wait3A_435 = arith.constant 0 : i32
        %dma_wait3A_436 = arith.constant 0 : i32
        %dma_wait3A_437 = tpu.memref_slice %arg7[%run_scoped3A_339, %dma_wait3A_435, %dma_wait3A_436] : memref<3x120x128xf32, #tpu.memory_space<vmem>> -> memref<1x120x128xf32, #tpu.memory_space<vmem>>
        %dma_wait3A_438 = tpu.memref_squeeze %dma_wait3A_437 : memref<1x120x128xf32, #tpu.memory_space<vmem>> -> memref<120x128xf32, #tpu.memory_space<vmem>>
        %dma_wait3A_439 = arith.constant 0 : i32
        %dma_wait3A_440 = tpu.memref_slice %arg6[%run_scoped3A_340, %run_scoped3A_341, %dma_wait3A_439] : memref<6x2x120xi32, #tpu.memory_space<vmem>> -> memref<1x1x120xi32, #tpu.memory_space<vmem>>
        %dma_wait3A_441 = tpu.memref_squeeze %dma_wait3A_440 : memref<1x1x120xi32, #tpu.memory_space<vmem>> -> memref<120xi32, #tpu.memory_space<vmem>>
        %dma_wait3A_442 = arith.constant 0 : i32
        %dma_wait3A_443 = arith.constant 0 : i32
        %dma_wait3A_444 = tpu.memref_slice %arg8[%dma_wait3A_442, %dma_wait3A_443] : memref<10240x128xf32, #tpu.memory_space<vmem_shared>> -> memref<10240x128xf32, #tpu.memory_space<vmem_shared>>
        tpu.wait_indirect_dma semaphore(%run_scoped3A_424 : memref<!tpu.dma_semaphore, #tpu.memory_space<semaphore_mem>>) src(%dma_wait3A_438 : memref<120x128xf32, #tpu.memory_space<vmem>>) dst(%dma_wait3A_444 : memref<10240x128xf32, #tpu.memory_space<vmem_shared>>)
        tpu.yield
      }) : () -> ()
      %add3A_342 = arith.constant 6 : i32
      %add3A_343 = arith.addi %add3A_325, %add3A_342 : i32
      %lt3A_344 = arith.constant 84 : i32
      %lt3A_345 = arith.cmpi slt, %add3A_343, %lt3A_344 : i32
      %convert_element_type3A_346 = arith.extui %lt3A_345 : i1 to i32
      %cond3A_347 = arith.constant 0 : i32
      %cond3A_348 = arith.cmpi ne, %convert_element_type3A_346, %cond3A_347 : i32
      scf.if %cond3A_348 {
        %add3A_424 = arith.constant 6 : i32
        %add3A_425 = arith.addi %add3A_325, %add3A_424 : i32
        %add3A_426 = arith.addi %mul3A_2, %add3A_425 : i32
        %dma_start3A_427 = arith.constant 3 : i32
        %dma_start3A_428 = arith.constant 0 : i32
        %dma_start3A_429 = arith.constant 0 : i32
        %dma_start3A_430 = tpu.memref_slice %arg6[%dma_start3A_427, %dma_start3A_428, %dma_start3A_429] : memref<6x2x120xi32, #tpu.memory_space<vmem>> -> memref<1x2x120xi32, #tpu.memory_space<vmem>>
        %dma_start3A_431 = tpu.memref_squeeze %dma_start3A_430 : memref<1x2x120xi32, #tpu.memory_space<vmem>> -> memref<2x120xi32, #tpu.memory_space<vmem>>
        %dma_start3A_432 = arith.constant 0 : i32
        %dma_start3A_433 = arith.constant 0 : i32
        %dma_start3A_434 = tpu.memref_slice %arg2[%add3A_426, %dma_start3A_432, %dma_start3A_433] : memref<2688x2x120xi32, #tpu.memory_space<hbm>> -> memref<1x2x120xi32, #tpu.memory_space<hbm>>
        %dma_start3A_435 = tpu.memref_squeeze %dma_start3A_434 : memref<1x2x120xi32, #tpu.memory_space<hbm>> -> memref<2x120xi32, #tpu.memory_space<hbm>>
        %dma_start3A_436 = arith.constant 0 : i32
        %dma_start3A_437 = arith.constant 0 : i32
        %dma_start3A_438 = tpu.memref_slice %arg6[%dma_start3A_427, %dma_start3A_436, %dma_start3A_437] : memref<6x2x120xi32, #tpu.memory_space<vmem>> -> memref<1x2x120xi32, #tpu.memory_space<vmem>>
        %dma_start3A_439 = tpu.memref_squeeze %dma_start3A_438 : memref<1x2x120xi32, #tpu.memory_space<vmem>> -> memref<2x120xi32, #tpu.memory_space<vmem>>
        %dma_start3A_440 = arith.constant 0 : i32
        %dma_start3A_441 = arith.constant 0 : i32
        %dma_start3A_442 = tpu.memref_slice %arg2[%add3A_426, %dma_start3A_440, %dma_start3A_441] : memref<2688x2x120xi32, #tpu.memory_space<hbm>> -> memref<1x2x120xi32, #tpu.memory_space<hbm>>
        %dma_start3A_443 = tpu.memref_squeeze %dma_start3A_442 : memref<1x2x120xi32, #tpu.memory_space<hbm>> -> memref<2x120xi32, #tpu.memory_space<hbm>>
        tpu.enqueue_dma source(%dma_start3A_443 : memref<2x120xi32, #tpu.memory_space<hbm>>) target(%dma_start3A_439 : memref<2x120xi32, #tpu.memory_space<vmem>>) target_semaphore(%arg15 : memref<!tpu.dma_semaphore, #tpu.memory_space<semaphore_mem>>)
      } else {
      }
      %add3A_349 = arith.constant 3 : i32
      %add3A_350 = arith.addi %add3A_325, %add3A_349 : i32
      %lt3A_351 = arith.constant 84 : i32
      %lt3A_352 = arith.cmpi slt, %add3A_350, %lt3A_351 : i32
      %convert_element_type3A_353 = arith.extui %lt3A_352 : i1 to i32
      %cond3A_354 = arith.constant 0 : i32
      %cond3A_355 = arith.cmpi ne, %convert_element_type3A_353, %cond3A_354 : i32
      scf.if %cond3A_355 {
        %add3A_424 = arith.constant 3 : i32
        %add3A_425 = arith.addi %add3A_325, %add3A_424 : i32
        %add3A_426 = arith.addi %mul3A_2, %add3A_425 : i32
        %dma_wait3A_427 = arith.constant 0 : i32
        %dma_wait3A_428 = arith.constant 0 : i32
        %dma_wait3A_429 = arith.constant 0 : i32
        %dma_wait3A_430 = tpu.memref_slice %arg6[%dma_wait3A_427, %dma_wait3A_428, %dma_wait3A_429] : memref<6x2x120xi32, #tpu.memory_space<vmem>> -> memref<1x2x120xi32, #tpu.memory_space<vmem>>
        %dma_wait3A_431 = tpu.memref_squeeze %dma_wait3A_430 : memref<1x2x120xi32, #tpu.memory_space<vmem>> -> memref<2x120xi32, #tpu.memory_space<vmem>>
        %dma_wait3A_432 = arith.constant 0 : i32
        %dma_wait3A_433 = arith.constant 0 : i32
        %dma_wait3A_434 = tpu.memref_slice %arg2[%add3A_426, %dma_wait3A_432, %dma_wait3A_433] : memref<2688x2x120xi32, #tpu.memory_space<hbm>> -> memref<1x2x120xi32, #tpu.memory_space<hbm>>
        %dma_wait3A_435 = tpu.memref_squeeze %dma_wait3A_434 : memref<1x2x120xi32, #tpu.memory_space<hbm>> -> memref<2x120xi32, #tpu.memory_space<hbm>>
        %dma_wait3A_436 = arith.constant 0 : i32
        %dma_wait3A_437 = arith.constant 0 : i32
        %dma_wait3A_438 = tpu.memref_slice %arg6[%dma_wait3A_427, %dma_wait3A_436, %dma_wait3A_437] : memref<6x2x120xi32, #tpu.memory_space<vmem>> -> memref<1x2x120xi32, #tpu.memory_space<vmem>>
        %dma_wait3A_439 = tpu.memref_squeeze %dma_wait3A_438 : memref<1x2x120xi32, #tpu.memory_space<vmem>> -> memref<2x120xi32, #tpu.memory_space<vmem>>
        %dma_wait3A_440 = arith.constant 0 : i32
        %dma_wait3A_441 = arith.constant 0 : i32
        %dma_wait3A_442 = tpu.memref_slice %arg2[%add3A_426, %dma_wait3A_440, %dma_wait3A_441] : memref<2688x2x120xi32, #tpu.memory_space<hbm>> -> memref<1x2x120xi32, #tpu.memory_space<hbm>>
        %dma_wait3A_443 = tpu.memref_squeeze %dma_wait3A_442 : memref<1x2x120xi32, #tpu.memory_space<hbm>> -> memref<2x120xi32, #tpu.memory_space<hbm>>
        tpu.wait_dma2 semaphore(%arg12 : memref<!tpu.dma_semaphore, #tpu.memory_space<semaphore_mem>>) src(%dma_wait3A_443 : memref<2x120xi32, #tpu.memory_space<hbm>>) dst(%dma_wait3A_439 : memref<2x120xi32, #tpu.memory_space<vmem>>)
        %add3A_444 = arith.constant 3 : i32
        %add3A_445 = arith.addi %add3A_325, %add3A_444 : i32
        %dma_start3A_446 = arith.constant 0 : i32
        %dma_start3A_447 = arith.constant 0 : i32
        %dma_start3A_448 = arith.constant 0 : i32
        %dma_start3A_449 = arith.constant 0 : i32
        %dma_start3A_450 = arith.constant 0 : i32
        %dma_start3A_451 = tpu.memref_slice %arg7[%dma_start3A_448, %dma_start3A_449, %dma_start3A_450] : memref<3x120x128xf32, #tpu.memory_space<vmem>> -> memref<1x120x128xf32, #tpu.memory_space<vmem>>
        %dma_start3A_452 = tpu.memref_squeeze %dma_start3A_451 : memref<1x120x128xf32, #tpu.memory_space<vmem>> -> memref<120x128xf32, #tpu.memory_space<vmem>>
        %dma_start3A_453 = arith.constant 0 : i32
        %dma_start3A_454 = tpu.memref_slice %arg6[%dma_start3A_446, %dma_start3A_447, %dma_start3A_453] : memref<6x2x120xi32, #tpu.memory_space<vmem>> -> memref<1x1x120xi32, #tpu.memory_space<vmem>>
        %dma_start3A_455 = tpu.memref_squeeze %dma_start3A_454 : memref<1x1x120xi32, #tpu.memory_space<vmem>> -> memref<120xi32, #tpu.memory_space<vmem>>
        %dma_start3A_456 = arith.constant 0 : i32
        %dma_start3A_457 = arith.constant 0 : i32
        %dma_start3A_458 = tpu.memref_slice %arg3[%dma_start3A_456, %dma_start3A_457] : memref<10000x128xf32, #tpu.memory_space<hbm>> -> memref<10000x128xf32, #tpu.memory_space<hbm>>
        tpu.enqueue_indirect_dma source(%dma_start3A_458 : memref<10000x128xf32, #tpu.memory_space<hbm>>) target(%dma_start3A_452 : memref<120x128xf32, #tpu.memory_space<vmem>>) offsets(%dma_start3A_455 : memref<120xi32, #tpu.memory_space<vmem>>) semaphore(%arg9 : memref<!tpu.dma_semaphore, #tpu.memory_space<semaphore_mem>>)
      } else {
      }
      %mul3A_356 = arith.constant 6 : i32
      %mul3A_357 = arith.muli %scan3A_223, %mul3A_356 : i32
      %add3A_358 = arith.constant 4 : i32
      %add3A_359 = arith.addi %mul3A_357, %add3A_358 : i32
      %dma_wait3A_360 = arith.constant 4 : i32
      %dma_wait3A_361 = arith.constant 0 : i32
      %dma_wait3A_362 = arith.constant 1 : i32
      %dma_wait3A_363 = arith.constant 0 : i32
      %dma_wait3A_364 = arith.constant 0 : i32
      %dma_wait3A_365 = tpu.memref_slice %arg7[%dma_wait3A_362, %dma_wait3A_363, %dma_wait3A_364] : memref<3x120x128xf32, #tpu.memory_space<vmem>> -> memref<1x120x128xf32, #tpu.memory_space<vmem>>
      %dma_wait3A_366 = tpu.memref_squeeze %dma_wait3A_365 : memref<1x120x128xf32, #tpu.memory_space<vmem>> -> memref<120x128xf32, #tpu.memory_space<vmem>>
      %dma_wait3A_367 = arith.constant 0 : i32
      %dma_wait3A_368 = tpu.memref_slice %arg6[%dma_wait3A_360, %dma_wait3A_361, %dma_wait3A_367] : memref<6x2x120xi32, #tpu.memory_space<vmem>> -> memref<1x1x120xi32, #tpu.memory_space<vmem>>
      %dma_wait3A_369 = tpu.memref_squeeze %dma_wait3A_368 : memref<1x1x120xi32, #tpu.memory_space<vmem>> -> memref<120xi32, #tpu.memory_space<vmem>>
      %dma_wait3A_370 = arith.constant 0 : i32
      %dma_wait3A_371 = arith.constant 0 : i32
      %dma_wait3A_372 = tpu.memref_slice %arg3[%dma_wait3A_370, %dma_wait3A_371] : memref<10000x128xf32, #tpu.memory_space<hbm>> -> memref<10000x128xf32, #tpu.memory_space<hbm>>
      tpu.wait_indirect_dma semaphore(%arg10 : memref<!tpu.dma_semaphore, #tpu.memory_space<semaphore_mem>>) src(%dma_wait3A_372 : memref<10000x128xf32, #tpu.memory_space<hbm>>) dst(%dma_wait3A_366 : memref<120x128xf32, #tpu.memory_space<vmem>>)
      %run_scoped3A_373 = arith.constant 1 : i32
      %run_scoped3A_374 = arith.constant 4 : i32
      %run_scoped3A_375 = arith.constant 1 : i32
      "tpu.region"() ({
        %run_scoped3A_424 = tpu.sem_alloc : memref<!tpu.dma_semaphore, #tpu.memory_space<semaphore_mem>>
        %dma_start3A_425 = arith.constant 0 : i32
        %dma_start3A_426 = arith.constant 0 : i32
        %dma_start3A_427 = tpu.memref_slice %arg7[%run_scoped3A_373, %dma_start3A_425, %dma_start3A_426] : memref<3x120x128xf32, #tpu.memory_space<vmem>> -> memref<1x120x128xf32, #tpu.memory_space<vmem>>
        %dma_start3A_428 = tpu.memref_squeeze %dma_start3A_427 : memref<1x120x128xf32, #tpu.memory_space<vmem>> -> memref<120x128xf32, #tpu.memory_space<vmem>>
        %dma_start3A_429 = arith.constant 0 : i32
        %dma_start3A_430 = tpu.memref_slice %arg6[%run_scoped3A_374, %run_scoped3A_375, %dma_start3A_429] : memref<6x2x120xi32, #tpu.memory_space<vmem>> -> memref<1x1x120xi32, #tpu.memory_space<vmem>>
        %dma_start3A_431 = tpu.memref_squeeze %dma_start3A_430 : memref<1x1x120xi32, #tpu.memory_space<vmem>> -> memref<120xi32, #tpu.memory_space<vmem>>
        %dma_start3A_432 = arith.constant 0 : i32
        %dma_start3A_433 = arith.constant 0 : i32
        %dma_start3A_434 = tpu.memref_slice %arg8[%dma_start3A_432, %dma_start3A_433] : memref<10240x128xf32, #tpu.memory_space<vmem_shared>> -> memref<10240x128xf32, #tpu.memory_space<vmem_shared>>
        tpu.enqueue_indirect_dma source(%dma_start3A_428 : memref<120x128xf32, #tpu.memory_space<vmem>>) target(%dma_start3A_434 : memref<10240x128xf32, #tpu.memory_space<vmem_shared>>) offsets(%dma_start3A_431 : memref<120xi32, #tpu.memory_space<vmem>>) semaphore(%run_scoped3A_424 : memref<!tpu.dma_semaphore, #tpu.memory_space<semaphore_mem>>) {add = true}
        %dma_wait3A_435 = arith.constant 0 : i32
        %dma_wait3A_436 = arith.constant 0 : i32
        %dma_wait3A_437 = tpu.memref_slice %arg7[%run_scoped3A_373, %dma_wait3A_435, %dma_wait3A_436] : memref<3x120x128xf32, #tpu.memory_space<vmem>> -> memref<1x120x128xf32, #tpu.memory_space<vmem>>
        %dma_wait3A_438 = tpu.memref_squeeze %dma_wait3A_437 : memref<1x120x128xf32, #tpu.memory_space<vmem>> -> memref<120x128xf32, #tpu.memory_space<vmem>>
        %dma_wait3A_439 = arith.constant 0 : i32
        %dma_wait3A_440 = tpu.memref_slice %arg6[%run_scoped3A_374, %run_scoped3A_375, %dma_wait3A_439] : memref<6x2x120xi32, #tpu.memory_space<vmem>> -> memref<1x1x120xi32, #tpu.memory_space<vmem>>
        %dma_wait3A_441 = tpu.memref_squeeze %dma_wait3A_440 : memref<1x1x120xi32, #tpu.memory_space<vmem>> -> memref<120xi32, #tpu.memory_space<vmem>>
        %dma_wait3A_442 = arith.constant 0 : i32
        %dma_wait3A_443 = arith.constant 0 : i32
        %dma_wait3A_444 = tpu.memref_slice %arg8[%dma_wait3A_442, %dma_wait3A_443] : memref<10240x128xf32, #tpu.memory_space<vmem_shared>> -> memref<10240x128xf32, #tpu.memory_space<vmem_shared>>
        tpu.wait_indirect_dma semaphore(%run_scoped3A_424 : memref<!tpu.dma_semaphore, #tpu.memory_space<semaphore_mem>>) src(%dma_wait3A_438 : memref<120x128xf32, #tpu.memory_space<vmem>>) dst(%dma_wait3A_444 : memref<10240x128xf32, #tpu.memory_space<vmem_shared>>)
        tpu.yield
      }) : () -> ()
      %add3A_376 = arith.constant 6 : i32
      %add3A_377 = arith.addi %add3A_359, %add3A_376 : i32
      %lt3A_378 = arith.constant 84 : i32
      %lt3A_379 = arith.cmpi slt, %add3A_377, %lt3A_378 : i32
      %convert_element_type3A_380 = arith.extui %lt3A_379 : i1 to i32
      %cond3A_381 = arith.constant 0 : i32
      %cond3A_382 = arith.cmpi ne, %convert_element_type3A_380, %cond3A_381 : i32
      scf.if %cond3A_382 {
        %add3A_424 = arith.constant 6 : i32
        %add3A_425 = arith.addi %add3A_359, %add3A_424 : i32
        %add3A_426 = arith.addi %mul3A_2, %add3A_425 : i32
        %dma_start3A_427 = arith.constant 4 : i32
        %dma_start3A_428 = arith.constant 0 : i32
        %dma_start3A_429 = arith.constant 0 : i32
        %dma_start3A_430 = tpu.memref_slice %arg6[%dma_start3A_427, %dma_start3A_428, %dma_start3A_429] : memref<6x2x120xi32, #tpu.memory_space<vmem>> -> memref<1x2x120xi32, #tpu.memory_space<vmem>>
        %dma_start3A_431 = tpu.memref_squeeze %dma_start3A_430 : memref<1x2x120xi32, #tpu.memory_space<vmem>> -> memref<2x120xi32, #tpu.memory_space<vmem>>
        %dma_start3A_432 = arith.constant 0 : i32
        %dma_start3A_433 = arith.constant 0 : i32
        %dma_start3A_434 = tpu.memref_slice %arg2[%add3A_426, %dma_start3A_432, %dma_start3A_433] : memref<2688x2x120xi32, #tpu.memory_space<hbm>> -> memref<1x2x120xi32, #tpu.memory_space<hbm>>
        %dma_start3A_435 = tpu.memref_squeeze %dma_start3A_434 : memref<1x2x120xi32, #tpu.memory_space<hbm>> -> memref<2x120xi32, #tpu.memory_space<hbm>>
        %dma_start3A_436 = arith.constant 0 : i32
        %dma_start3A_437 = arith.constant 0 : i32
        %dma_start3A_438 = tpu.memref_slice %arg6[%dma_start3A_427, %dma_start3A_436, %dma_start3A_437] : memref<6x2x120xi32, #tpu.memory_space<vmem>> -> memref<1x2x120xi32, #tpu.memory_space<vmem>>
        %dma_start3A_439 = tpu.memref_squeeze %dma_start3A_438 : memref<1x2x120xi32, #tpu.memory_space<vmem>> -> memref<2x120xi32, #tpu.memory_space<vmem>>
        %dma_start3A_440 = arith.constant 0 : i32
        %dma_start3A_441 = arith.constant 0 : i32
        %dma_start3A_442 = tpu.memref_slice %arg2[%add3A_426, %dma_start3A_440, %dma_start3A_441] : memref<2688x2x120xi32, #tpu.memory_space<hbm>> -> memref<1x2x120xi32, #tpu.memory_space<hbm>>
        %dma_start3A_443 = tpu.memref_squeeze %dma_start3A_442 : memref<1x2x120xi32, #tpu.memory_space<hbm>> -> memref<2x120xi32, #tpu.memory_space<hbm>>
        tpu.enqueue_dma source(%dma_start3A_443 : memref<2x120xi32, #tpu.memory_space<hbm>>) target(%dma_start3A_439 : memref<2x120xi32, #tpu.memory_space<vmem>>) target_semaphore(%arg16 : memref<!tpu.dma_semaphore, #tpu.memory_space<semaphore_mem>>)
      } else {
      }
      %add3A_383 = arith.constant 3 : i32
      %add3A_384 = arith.addi %add3A_359, %add3A_383 : i32
      %lt3A_385 = arith.constant 84 : i32
      %lt3A_386 = arith.cmpi slt, %add3A_384, %lt3A_385 : i32
      %convert_element_type3A_387 = arith.extui %lt3A_386 : i1 to i32
      %cond3A_388 = arith.constant 0 : i32
      %cond3A_389 = arith.cmpi ne, %convert_element_type3A_387, %cond3A_388 : i32
      scf.if %cond3A_389 {
        %add3A_424 = arith.constant 3 : i32
        %add3A_425 = arith.addi %add3A_359, %add3A_424 : i32
        %add3A_426 = arith.addi %mul3A_2, %add3A_425 : i32
        %dma_wait3A_427 = arith.constant 1 : i32
        %dma_wait3A_428 = arith.constant 0 : i32
        %dma_wait3A_429 = arith.constant 0 : i32
        %dma_wait3A_430 = tpu.memref_slice %arg6[%dma_wait3A_427, %dma_wait3A_428, %dma_wait3A_429] : memref<6x2x120xi32, #tpu.memory_space<vmem>> -> memref<1x2x120xi32, #tpu.memory_space<vmem>>
        %dma_wait3A_431 = tpu.memref_squeeze %dma_wait3A_430 : memref<1x2x120xi32, #tpu.memory_space<vmem>> -> memref<2x120xi32, #tpu.memory_space<vmem>>
        %dma_wait3A_432 = arith.constant 0 : i32
        %dma_wait3A_433 = arith.constant 0 : i32
        %dma_wait3A_434 = tpu.memref_slice %arg2[%add3A_426, %dma_wait3A_432, %dma_wait3A_433] : memref<2688x2x120xi32, #tpu.memory_space<hbm>> -> memref<1x2x120xi32, #tpu.memory_space<hbm>>
        %dma_wait3A_435 = tpu.memref_squeeze %dma_wait3A_434 : memref<1x2x120xi32, #tpu.memory_space<hbm>> -> memref<2x120xi32, #tpu.memory_space<hbm>>
        %dma_wait3A_436 = arith.constant 0 : i32
        %dma_wait3A_437 = arith.constant 0 : i32
        %dma_wait3A_438 = tpu.memref_slice %arg6[%dma_wait3A_427, %dma_wait3A_436, %dma_wait3A_437] : memref<6x2x120xi32, #tpu.memory_space<vmem>> -> memref<1x2x120xi32, #tpu.memory_space<vmem>>
        %dma_wait3A_439 = tpu.memref_squeeze %dma_wait3A_438 : memref<1x2x120xi32, #tpu.memory_space<vmem>> -> memref<2x120xi32, #tpu.memory_space<vmem>>
        %dma_wait3A_440 = arith.constant 0 : i32
        %dma_wait3A_441 = arith.constant 0 : i32
        %dma_wait3A_442 = tpu.memref_slice %arg2[%add3A_426, %dma_wait3A_440, %dma_wait3A_441] : memref<2688x2x120xi32, #tpu.memory_space<hbm>> -> memref<1x2x120xi32, #tpu.memory_space<hbm>>
        %dma_wait3A_443 = tpu.memref_squeeze %dma_wait3A_442 : memref<1x2x120xi32, #tpu.memory_space<hbm>> -> memref<2x120xi32, #tpu.memory_space<hbm>>
        tpu.wait_dma2 semaphore(%arg13 : memref<!tpu.dma_semaphore, #tpu.memory_space<semaphore_mem>>) src(%dma_wait3A_443 : memref<2x120xi32, #tpu.memory_space<hbm>>) dst(%dma_wait3A_439 : memref<2x120xi32, #tpu.memory_space<vmem>>)
        %add3A_444 = arith.constant 3 : i32
        %add3A_445 = arith.addi %add3A_359, %add3A_444 : i32
        %dma_start3A_446 = arith.constant 1 : i32
        %dma_start3A_447 = arith.constant 0 : i32
        %dma_start3A_448 = arith.constant 1 : i32
        %dma_start3A_449 = arith.constant 0 : i32
        %dma_start3A_450 = arith.constant 0 : i32
        %dma_start3A_451 = tpu.memref_slice %arg7[%dma_start3A_448, %dma_start3A_449, %dma_start3A_450] : memref<3x120x128xf32, #tpu.memory_space<vmem>> -> memref<1x120x128xf32, #tpu.memory_space<vmem>>
        %dma_start3A_452 = tpu.memref_squeeze %dma_start3A_451 : memref<1x120x128xf32, #tpu.memory_space<vmem>> -> memref<120x128xf32, #tpu.memory_space<vmem>>
        %dma_start3A_453 = arith.constant 0 : i32
        %dma_start3A_454 = tpu.memref_slice %arg6[%dma_start3A_446, %dma_start3A_447, %dma_start3A_453] : memref<6x2x120xi32, #tpu.memory_space<vmem>> -> memref<1x1x120xi32, #tpu.memory_space<vmem>>
        %dma_start3A_455 = tpu.memref_squeeze %dma_start3A_454 : memref<1x1x120xi32, #tpu.memory_space<vmem>> -> memref<120xi32, #tpu.memory_space<vmem>>
        %dma_start3A_456 = arith.constant 0 : i32
        %dma_start3A_457 = arith.constant 0 : i32
        %dma_start3A_458 = tpu.memref_slice %arg3[%dma_start3A_456, %dma_start3A_457] : memref<10000x128xf32, #tpu.memory_space<hbm>> -> memref<10000x128xf32, #tpu.memory_space<hbm>>
        tpu.enqueue_indirect_dma source(%dma_start3A_458 : memref<10000x128xf32, #tpu.memory_space<hbm>>) target(%dma_start3A_452 : memref<120x128xf32, #tpu.memory_space<vmem>>) offsets(%dma_start3A_455 : memref<120xi32, #tpu.memory_space<vmem>>) semaphore(%arg10 : memref<!tpu.dma_semaphore, #tpu.memory_space<semaphore_mem>>)
      } else {
      }
      %mul3A_390 = arith.constant 6 : i32
      %mul3A_391 = arith.muli %scan3A_223, %mul3A_390 : i32
      %add3A_392 = arith.constant 5 : i32
      %add3A_393 = arith.addi %mul3A_391, %add3A_392 : i32
      %dma_wait3A_394 = arith.constant 5 : i32
      %dma_wait3A_395 = arith.constant 0 : i32
      %dma_wait3A_396 = arith.constant 2 : i32
      %dma_wait3A_397 = arith.constant 0 : i32
      %dma_wait3A_398 = arith.constant 0 : i32
      %dma_wait3A_399 = tpu.memref_slice %arg7[%dma_wait3A_396, %dma_wait3A_397, %dma_wait3A_398] : memref<3x120x128xf32, #tpu.memory_space<vmem>> -> memref<1x120x128xf32, #tpu.memory_space<vmem>>
      %dma_wait3A_400 = tpu.memref_squeeze %dma_wait3A_399 : memref<1x120x128xf32, #tpu.memory_space<vmem>> -> memref<120x128xf32, #tpu.memory_space<vmem>>
      %dma_wait3A_401 = arith.constant 0 : i32
      %dma_wait3A_402 = tpu.memref_slice %arg6[%dma_wait3A_394, %dma_wait3A_395, %dma_wait3A_401] : memref<6x2x120xi32, #tpu.memory_space<vmem>> -> memref<1x1x120xi32, #tpu.memory_space<vmem>>
      %dma_wait3A_403 = tpu.memref_squeeze %dma_wait3A_402 : memref<1x1x120xi32, #tpu.memory_space<vmem>> -> memref<120xi32, #tpu.memory_space<vmem>>
      %dma_wait3A_404 = arith.constant 0 : i32
      %dma_wait3A_405 = arith.constant 0 : i32
      %dma_wait3A_406 = tpu.memref_slice %arg3[%dma_wait3A_404, %dma_wait3A_405] : memref<10000x128xf32, #tpu.memory_space<hbm>> -> memref<10000x128xf32, #tpu.memory_space<hbm>>
      tpu.wait_indirect_dma semaphore(%arg11 : memref<!tpu.dma_semaphore, #tpu.memory_space<semaphore_mem>>) src(%dma_wait3A_406 : memref<10000x128xf32, #tpu.memory_space<hbm>>) dst(%dma_wait3A_400 : memref<120x128xf32, #tpu.memory_space<vmem>>)
      %run_scoped3A_407 = arith.constant 2 : i32
      %run_scoped3A_408 = arith.constant 5 : i32
      %run_scoped3A_409 = arith.constant 1 : i32
      "tpu.region"() ({
        %run_scoped3A_424 = tpu.sem_alloc : memref<!tpu.dma_semaphore, #tpu.memory_space<semaphore_mem>>
        %dma_start3A_425 = arith.constant 0 : i32
        %dma_start3A_426 = arith.constant 0 : i32
        %dma_start3A_427 = tpu.memref_slice %arg7[%run_scoped3A_407, %dma_start3A_425, %dma_start3A_426] : memref<3x120x128xf32, #tpu.memory_space<vmem>> -> memref<1x120x128xf32, #tpu.memory_space<vmem>>
        %dma_start3A_428 = tpu.memref_squeeze %dma_start3A_427 : memref<1x120x128xf32, #tpu.memory_space<vmem>> -> memref<120x128xf32, #tpu.memory_space<vmem>>
        %dma_start3A_429 = arith.constant 0 : i32
        %dma_start3A_430 = tpu.memref_slice %arg6[%run_scoped3A_408, %run_scoped3A_409, %dma_start3A_429] : memref<6x2x120xi32, #tpu.memory_space<vmem>> -> memref<1x1x120xi32, #tpu.memory_space<vmem>>
        %dma_start3A_431 = tpu.memref_squeeze %dma_start3A_430 : memref<1x1x120xi32, #tpu.memory_space<vmem>> -> memref<120xi32, #tpu.memory_space<vmem>>
        %dma_start3A_432 = arith.constant 0 : i32
        %dma_start3A_433 = arith.constant 0 : i32
        %dma_start3A_434 = tpu.memref_slice %arg8[%dma_start3A_432, %dma_start3A_433] : memref<10240x128xf32, #tpu.memory_space<vmem_shared>> -> memref<10240x128xf32, #tpu.memory_space<vmem_shared>>
        tpu.enqueue_indirect_dma source(%dma_start3A_428 : memref<120x128xf32, #tpu.memory_space<vmem>>) target(%dma_start3A_434 : memref<10240x128xf32, #tpu.memory_space<vmem_shared>>) offsets(%dma_start3A_431 : memref<120xi32, #tpu.memory_space<vmem>>) semaphore(%run_scoped3A_424 : memref<!tpu.dma_semaphore, #tpu.memory_space<semaphore_mem>>) {add = true}
        %dma_wait3A_435 = arith.constant 0 : i32
        %dma_wait3A_436 = arith.constant 0 : i32
        %dma_wait3A_437 = tpu.memref_slice %arg7[%run_scoped3A_407, %dma_wait3A_435, %dma_wait3A_436] : memref<3x120x128xf32, #tpu.memory_space<vmem>> -> memref<1x120x128xf32, #tpu.memory_space<vmem>>
        %dma_wait3A_438 = tpu.memref_squeeze %dma_wait3A_437 : memref<1x120x128xf32, #tpu.memory_space<vmem>> -> memref<120x128xf32, #tpu.memory_space<vmem>>
        %dma_wait3A_439 = arith.constant 0 : i32
        %dma_wait3A_440 = tpu.memref_slice %arg6[%run_scoped3A_408, %run_scoped3A_409, %dma_wait3A_439] : memref<6x2x120xi32, #tpu.memory_space<vmem>> -> memref<1x1x120xi32, #tpu.memory_space<vmem>>
        %dma_wait3A_441 = tpu.memref_squeeze %dma_wait3A_440 : memref<1x1x120xi32, #tpu.memory_space<vmem>> -> memref<120xi32, #tpu.memory_space<vmem>>
        %dma_wait3A_442 = arith.constant 0 : i32
        %dma_wait3A_443 = arith.constant 0 : i32
        %dma_wait3A_444 = tpu.memref_slice %arg8[%dma_wait3A_442, %dma_wait3A_443] : memref<10240x128xf32, #tpu.memory_space<vmem_shared>> -> memref<10240x128xf32, #tpu.memory_space<vmem_shared>>
        tpu.wait_indirect_dma semaphore(%run_scoped3A_424 : memref<!tpu.dma_semaphore, #tpu.memory_space<semaphore_mem>>) src(%dma_wait3A_438 : memref<120x128xf32, #tpu.memory_space<vmem>>) dst(%dma_wait3A_444 : memref<10240x128xf32, #tpu.memory_space<vmem_shared>>)
        tpu.yield
      }) : () -> ()
      %add3A_410 = arith.constant 6 : i32
      %add3A_411 = arith.addi %add3A_393, %add3A_410 : i32
      %lt3A_412 = arith.constant 84 : i32
      %lt3A_413 = arith.cmpi slt, %add3A_411, %lt3A_412 : i32
      %convert_element_type3A_414 = arith.extui %lt3A_413 : i1 to i32
      %cond3A_415 = arith.constant 0 : i32
      %cond3A_416 = arith.cmpi ne, %convert_element_type3A_414, %cond3A_415 : i32
      scf.if %cond3A_416 {
        %add3A_424 = arith.constant 6 : i32
        %add3A_425 = arith.addi %add3A_393, %add3A_424 : i32
        %add3A_426 = arith.addi %mul3A_2, %add3A_425 : i32
        %dma_start3A_427 = arith.constant 5 : i32
        %dma_start3A_428 = arith.constant 0 : i32
        %dma_start3A_429 = arith.constant 0 : i32
        %dma_start3A_430 = tpu.memref_slice %arg6[%dma_start3A_427, %dma_start3A_428, %dma_start3A_429] : memref<6x2x120xi32, #tpu.memory_space<vmem>> -> memref<1x2x120xi32, #tpu.memory_space<vmem>>
        %dma_start3A_431 = tpu.memref_squeeze %dma_start3A_430 : memref<1x2x120xi32, #tpu.memory_space<vmem>> -> memref<2x120xi32, #tpu.memory_space<vmem>>
        %dma_start3A_432 = arith.constant 0 : i32
        %dma_start3A_433 = arith.constant 0 : i32
        %dma_start3A_434 = tpu.memref_slice %arg2[%add3A_426, %dma_start3A_432, %dma_start3A_433] : memref<2688x2x120xi32, #tpu.memory_space<hbm>> -> memref<1x2x120xi32, #tpu.memory_space<hbm>>
        %dma_start3A_435 = tpu.memref_squeeze %dma_start3A_434 : memref<1x2x120xi32, #tpu.memory_space<hbm>> -> memref<2x120xi32, #tpu.memory_space<hbm>>
        %dma_start3A_436 = arith.constant 0 : i32
        %dma_start3A_437 = arith.constant 0 : i32
        %dma_start3A_438 = tpu.memref_slice %arg6[%dma_start3A_427, %dma_start3A_436, %dma_start3A_437] : memref<6x2x120xi32, #tpu.memory_space<vmem>> -> memref<1x2x120xi32, #tpu.memory_space<vmem>>
        %dma_start3A_439 = tpu.memref_squeeze %dma_start3A_438 : memref<1x2x120xi32, #tpu.memory_space<vmem>> -> memref<2x120xi32, #tpu.memory_space<vmem>>
        %dma_start3A_440 = arith.constant 0 : i32
        %dma_start3A_441 = arith.constant 0 : i32
        %dma_start3A_442 = tpu.memref_slice %arg2[%add3A_426, %dma_start3A_440, %dma_start3A_441] : memref<2688x2x120xi32, #tpu.memory_space<hbm>> -> memref<1x2x120xi32, #tpu.memory_space<hbm>>
        %dma_start3A_443 = tpu.memref_squeeze %dma_start3A_442 : memref<1x2x120xi32, #tpu.memory_space<hbm>> -> memref<2x120xi32, #tpu.memory_space<hbm>>
        tpu.enqueue_dma source(%dma_start3A_443 : memref<2x120xi32, #tpu.memory_space<hbm>>) target(%dma_start3A_439 : memref<2x120xi32, #tpu.memory_space<vmem>>) target_semaphore(%arg17 : memref<!tpu.dma_semaphore, #tpu.memory_space<semaphore_mem>>)
      } else {
      }
      %add3A_417 = arith.constant 3 : i32
      %add3A_418 = arith.addi %add3A_393, %add3A_417 : i32
      %lt3A_419 = arith.constant 84 : i32
      %lt3A_420 = arith.cmpi slt, %add3A_418, %lt3A_419 : i32
      %convert_element_type3A_421 = arith.extui %lt3A_420 : i1 to i32
      %cond3A_422 = arith.constant 0 : i32
      %cond3A_423 = arith.cmpi ne, %convert_element_type3A_421, %cond3A_422 : i32
      scf.if %cond3A_423 {
        %add3A_424 = arith.constant 3 : i32
        %add3A_425 = arith.addi %add3A_393, %add3A_424 : i32
        %add3A_426 = arith.addi %mul3A_2, %add3A_425 : i32
        %dma_wait3A_427 = arith.constant 2 : i32
        %dma_wait3A_428 = arith.constant 0 : i32
        %dma_wait3A_429 = arith.constant 0 : i32
        %dma_wait3A_430 = tpu.memref_slice %arg6[%dma_wait3A_427, %dma_wait3A_428, %dma_wait3A_429] : memref<6x2x120xi32, #tpu.memory_space<vmem>> -> memref<1x2x120xi32, #tpu.memory_space<vmem>>
        %dma_wait3A_431 = tpu.memref_squeeze %dma_wait3A_430 : memref<1x2x120xi32, #tpu.memory_space<vmem>> -> memref<2x120xi32, #tpu.memory_space<vmem>>
        %dma_wait3A_432 = arith.constant 0 : i32
        %dma_wait3A_433 = arith.constant 0 : i32
        %dma_wait3A_434 = tpu.memref_slice %arg2[%add3A_426, %dma_wait3A_432, %dma_wait3A_433] : memref<2688x2x120xi32, #tpu.memory_space<hbm>> -> memref<1x2x120xi32, #tpu.memory_space<hbm>>
        %dma_wait3A_435 = tpu.memref_squeeze %dma_wait3A_434 : memref<1x2x120xi32, #tpu.memory_space<hbm>> -> memref<2x120xi32, #tpu.memory_space<hbm>>
        %dma_wait3A_436 = arith.constant 0 : i32
        %dma_wait3A_437 = arith.constant 0 : i32
        %dma_wait3A_438 = tpu.memref_slice %arg6[%dma_wait3A_427, %dma_wait3A_436, %dma_wait3A_437] : memref<6x2x120xi32, #tpu.memory_space<vmem>> -> memref<1x2x120xi32, #tpu.memory_space<vmem>>
        %dma_wait3A_439 = tpu.memref_squeeze %dma_wait3A_438 : memref<1x2x120xi32, #tpu.memory_space<vmem>> -> memref<2x120xi32, #tpu.memory_space<vmem>>
        %dma_wait3A_440 = arith.constant 0 : i32
        %dma_wait3A_441 = arith.constant 0 : i32
        %dma_wait3A_442 = tpu.memref_slice %arg2[%add3A_426, %dma_wait3A_440, %dma_wait3A_441] : memref<2688x2x120xi32, #tpu.memory_space<hbm>> -> memref<1x2x120xi32, #tpu.memory_space<hbm>>
        %dma_wait3A_443 = tpu.memref_squeeze %dma_wait3A_442 : memref<1x2x120xi32, #tpu.memory_space<hbm>> -> memref<2x120xi32, #tpu.memory_space<hbm>>
        tpu.wait_dma2 semaphore(%arg14 : memref<!tpu.dma_semaphore, #tpu.memory_space<semaphore_mem>>) src(%dma_wait3A_443 : memref<2x120xi32, #tpu.memory_space<hbm>>) dst(%dma_wait3A_439 : memref<2x120xi32, #tpu.memory_space<vmem>>)
        %add3A_444 = arith.constant 3 : i32
        %add3A_445 = arith.addi %add3A_393, %add3A_444 : i32
        %dma_start3A_446 = arith.constant 2 : i32
        %dma_start3A_447 = arith.constant 0 : i32
        %dma_start3A_448 = arith.constant 2 : i32
        %dma_start3A_449 = arith.constant 0 : i32
        %dma_start3A_450 = arith.constant 0 : i32
        %dma_start3A_451 = tpu.memref_slice %arg7[%dma_start3A_448, %dma_start3A_449, %dma_start3A_450] : memref<3x120x128xf32, #tpu.memory_space<vmem>> -> memref<1x120x128xf32, #tpu.memory_space<vmem>>
        %dma_start3A_452 = tpu.memref_squeeze %dma_start3A_451 : memref<1x120x128xf32, #tpu.memory_space<vmem>> -> memref<120x128xf32, #tpu.memory_space<vmem>>
        %dma_start3A_453 = arith.constant 0 : i32
        %dma_start3A_454 = tpu.memref_slice %arg6[%dma_start3A_446, %dma_start3A_447, %dma_start3A_453] : memref<6x2x120xi32, #tpu.memory_space<vmem>> -> memref<1x1x120xi32, #tpu.memory_space<vmem>>
        %dma_start3A_455 = tpu.memref_squeeze %dma_start3A_454 : memref<1x1x120xi32, #tpu.memory_space<vmem>> -> memref<120xi32, #tpu.memory_space<vmem>>
        %dma_start3A_456 = arith.constant 0 : i32
        %dma_start3A_457 = arith.constant 0 : i32
        %dma_start3A_458 = tpu.memref_slice %arg3[%dma_start3A_456, %dma_start3A_457] : memref<10000x128xf32, #tpu.memory_space<hbm>> -> memref<10000x128xf32, #tpu.memory_space<hbm>>
        tpu.enqueue_indirect_dma source(%dma_start3A_458 : memref<10000x128xf32, #tpu.memory_space<hbm>>) target(%dma_start3A_452 : memref<120x128xf32, #tpu.memory_space<vmem>>) offsets(%dma_start3A_455 : memref<120xi32, #tpu.memory_space<vmem>>) semaphore(%arg11 : memref<!tpu.dma_semaphore, #tpu.memory_space<semaphore_mem>>)
      } else {
      }
    }
    %scan3A_217 = arith.constant 14 : i32
    %barrier3A_218 = arith.constant 0 : index
    tpu.barrier barrier_id(%barrier3A_218)
    %mul3A_219 = arith.constant 640 : i32
    %mul3A_220 = arith.muli %arg1, %mul3A_219 : i32
    %mul3A_221 = arith.constant 640 : i32
    %mul3A_222 = arith.muli %arg1, %mul3A_221 : i32
    "tpu.region"() ({
      %run_scoped3A = tpu.sem_alloc : memref<!tpu.dma_semaphore, #tpu.memory_space<semaphore_mem>>
      %dma_start3A_223 = arith.constant 0 : i32
      %dma_start3A_224 = tpu.memref_slice %arg5[%arg0, %mul3A_222, %dma_start3A_223] : memref<2x10240x128xf32, #tpu.memory_space<hbm>> -> memref<1x640x128xf32, #tpu.memory_space<hbm>>
      %dma_start3A_225 = tpu.memref_squeeze %dma_start3A_224 : memref<1x640x128xf32, #tpu.memory_space<hbm>> -> memref<640x128xf32, #tpu.memory_space<hbm>>
      %dma_start3A_226 = arith.constant 0 : i32
      %dma_start3A_227 = tpu.memref_slice %arg8[%mul3A_220, %dma_start3A_226] : memref<10240x128xf32, #tpu.memory_space<vmem_shared>> -> memref<640x128xf32, #tpu.memory_space<vmem_shared>>
      tpu.enqueue_dma source(%dma_start3A_227 : memref<640x128xf32, #tpu.memory_space<vmem_shared>>) target(%dma_start3A_225 : memref<640x128xf32, #tpu.memory_space<hbm>>) target_semaphore(%run_scoped3A : memref<!tpu.dma_semaphore, #tpu.memory_space<semaphore_mem>>)
      %dma_wait3A_228 = arith.constant 0 : i32
      %dma_wait3A_229 = tpu.memref_slice %arg5[%arg0, %mul3A_222, %dma_wait3A_228] : memref<2x10240x128xf32, #tpu.memory_space<hbm>> -> memref<1x640x128xf32, #tpu.memory_space<hbm>>
      %dma_wait3A_230 = tpu.memref_squeeze %dma_wait3A_229 : memref<1x640x128xf32, #tpu.memory_space<hbm>> -> memref<640x128xf32, #tpu.memory_space<hbm>>
      %dma_wait3A_231 = arith.constant 0 : i32
      %dma_wait3A_232 = tpu.memref_slice %arg8[%mul3A_220, %dma_wait3A_231] : memref<10240x128xf32, #tpu.memory_space<vmem_shared>> -> memref<640x128xf32, #tpu.memory_space<vmem_shared>>
      tpu.wait_dma2 semaphore(%run_scoped3A : memref<!tpu.dma_semaphore, #tpu.memory_space<semaphore_mem>>) src(%dma_wait3A_232 : memref<640x128xf32, #tpu.memory_space<vmem_shared>>) dst(%dma_wait3A_230 : memref<640x128xf32, #tpu.memory_space<hbm>>)
      tpu.yield
    }) : () -> ()
    return
  }
}

module attributes {stable_mosaic.version = 14 : i64} {
  func.func @_lstm_body(%arg0: i32, %arg1: memref<2000x640xf32, #tpu.memory_space<vmem>>, %arg2: memref<128x512xbf16, #tpu.memory_space<vmem>>, %arg3: memref<128x512xbf16, #tpu.memory_space<vmem>>, %arg4: memref<1x512xf32, #tpu.memory_space<vmem>>, %arg5: memref<1x512xf32, #tpu.memory_space<vmem>>, %arg6: memref<2000x128xf32, #tpu.memory_space<vmem>>) attributes {dimension_semantics = [#tpu.dimension_semantics<arbitrary>], iteration_bounds = array<i64: 5>, scalar_prefetch = 0 : i64, scratch_operands = 0 : i64, tpu.core_type = #tpu.core_type<tc>, window_params = [{transform_indices = @transform_0, window_bounds = array<i64: 2000, 640>}, {pipeline_mode = #tpu.pipeline_mode<synchronous>, transform_indices = @transform_1, window_bounds = array<i64: 128, 512>}, {pipeline_mode = #tpu.pipeline_mode<synchronous>, transform_indices = @transform_2, window_bounds = array<i64: 128, 512>}, {pipeline_mode = #tpu.pipeline_mode<synchronous>, transform_indices = @transform_3, window_bounds = array<i64: 1, 512>}, {pipeline_mode = #tpu.pipeline_mode<synchronous>, transform_indices = @transform_4, window_bounds = array<i64: 1, 512>}, {transform_indices = @transform_5, window_bounds = array<i64: 2000, 128>}]} {
    %get3A = arith.constant 0 : index
    %get3A_0 = arith.constant 0 : index
    %get3A_1 = vector.load %arg4[%get3A, %get3A_0] : memref<1x512xf32, #tpu.memory_space<vmem>>, vector<1x512xf32>
    %get3A_2 = arith.constant 0 : index
    %get3A_3 = arith.constant 0 : index
    %get3A_4 = vector.load %arg5[%get3A_2, %get3A_3] : memref<1x512xf32, #tpu.memory_space<vmem>>, vector<1x512xf32>
    %add3A = arith.addf %get3A_1, %get3A_4 : vector<1x512xf32>
    %broadcast_in_dim3A = arith.constant 0.000000e+00 : f32
    %broadcast_in_dim3A_5 = vector.broadcast %broadcast_in_dim3A : f32 to vector<2000x128xf32>
    %broadcast_in_dim3A_6 = arith.constant 0.000000e+00 : f32
    %broadcast_in_dim3A_7 = vector.broadcast %broadcast_in_dim3A_6 : f32 to vector<2000x128xf32>
    %get3A_8 = arith.constant 0 : index
    %get3A_9 = arith.constant 0 : index
    %get3A_10 = vector.load %arg1[%get3A_8, %get3A_9] : memref<2000x640xf32, #tpu.memory_space<vmem>>, vector<2000x128xf32>
    %convert_element_type3A = arith.truncf %get3A_10 : vector<2000x128xf32> to vector<2000x128xbf16>
    %get3A_11 = arith.constant 0 : index
    %get3A_12 = arith.constant 0 : index
    %get3A_13 = vector.load %arg2[%get3A_11, %get3A_12] : memref<128x512xbf16, #tpu.memory_space<vmem>>, vector<128x512xbf16>
    %dot_general3A = arith.constant dense<0.000000e+00> : vector<2000x512xf32>
    %dot_general3A_14 = tpu.matmul %convert_element_type3A, %get3A_13, %dot_general3A {dimension_numbers = #tpu.dot_dimension_numbers<[1], [0], [0], [1], [0, 0, 1, 1], [], []>, transpose_lhs_hint = false} : vector<2000x128xbf16>, vector<128x512xbf16>, vector<2000x512xf32> -> vector<2000x512xf32>
    %convert_element_type3A_15 = arith.truncf %broadcast_in_dim3A_5 : vector<2000x128xf32> to vector<2000x128xbf16>
    %get3A_16 = arith.constant 0 : index
    %get3A_17 = arith.constant 0 : index
    %get3A_18 = vector.load %arg3[%get3A_16, %get3A_17] : memref<128x512xbf16, #tpu.memory_space<vmem>>, vector<128x512xbf16>
    %dot_general3A_19 = arith.constant dense<0.000000e+00> : vector<2000x512xf32>
    %dot_general3A_20 = tpu.matmul %convert_element_type3A_15, %get3A_18, %dot_general3A_19 {dimension_numbers = #tpu.dot_dimension_numbers<[1], [0], [0], [1], [0, 0, 1, 1], [], []>, transpose_lhs_hint = false} : vector<2000x128xbf16>, vector<128x512xbf16>, vector<2000x512xf32> -> vector<2000x512xf32>
    %add3A_21 = arith.addf %dot_general3A_14, %dot_general3A_20 : vector<2000x512xf32>
    %add3A_22 = vector.broadcast %add3A : vector<1x512xf32> to vector<2000x512xf32>
    %add3A_23 = arith.addf %add3A_21, %add3A_22 : vector<2000x512xf32>
    %slice3A = vector.extract_strided_slice %add3A_23 {offsets = [0, 0], sizes = [2000, 128], strides = [1, 1]} : vector<2000x512xf32> to vector<2000x128xf32>
    %logistic3A = arith.negf %slice3A : vector<2000x128xf32>
    %logistic3A_24 = math.exp %logistic3A : vector<2000x128xf32>
    %logistic3A_25 = arith.constant 1.000000e+00 : f32
    %logistic3A_26 = vector.broadcast %logistic3A_25 : f32 to vector<2000x128xf32>
    %logistic3A_27 = arith.addf %logistic3A_26, %logistic3A_24 : vector<2000x128xf32>
    %logistic3A_28 = arith.divf %logistic3A_26, %logistic3A_27 : vector<2000x128xf32>
    %slice3A_29 = vector.extract_strided_slice %add3A_23 {offsets = [0, 128], sizes = [2000, 128], strides = [1, 1]} : vector<2000x512xf32> to vector<2000x128xf32>
    %logistic3A_30 = arith.negf %slice3A_29 : vector<2000x128xf32>
    %logistic3A_31 = math.exp %logistic3A_30 : vector<2000x128xf32>
    %logistic3A_32 = arith.constant 1.000000e+00 : f32
    %logistic3A_33 = vector.broadcast %logistic3A_32 : f32 to vector<2000x128xf32>
    %logistic3A_34 = arith.addf %logistic3A_33, %logistic3A_31 : vector<2000x128xf32>
    %logistic3A_35 = arith.divf %logistic3A_33, %logistic3A_34 : vector<2000x128xf32>
    %slice3A_36 = vector.extract_strided_slice %add3A_23 {offsets = [0, 256], sizes = [2000, 128], strides = [1, 1]} : vector<2000x512xf32> to vector<2000x128xf32>
    %tanh3A = math.tanh %slice3A_36 : vector<2000x128xf32>
    %slice3A_37 = vector.extract_strided_slice %add3A_23 {offsets = [0, 384], sizes = [2000, 128], strides = [1, 1]} : vector<2000x512xf32> to vector<2000x128xf32>
    %logistic3A_38 = arith.negf %slice3A_37 : vector<2000x128xf32>
    %logistic3A_39 = math.exp %logistic3A_38 : vector<2000x128xf32>
    %logistic3A_40 = arith.constant 1.000000e+00 : f32
    %logistic3A_41 = vector.broadcast %logistic3A_40 : f32 to vector<2000x128xf32>
    %logistic3A_42 = arith.addf %logistic3A_41, %logistic3A_39 : vector<2000x128xf32>
    %logistic3A_43 = arith.divf %logistic3A_41, %logistic3A_42 : vector<2000x128xf32>
    %mul3A = arith.mulf %logistic3A_35, %broadcast_in_dim3A_7 : vector<2000x128xf32>
    %mul3A_44 = arith.mulf %logistic3A_28, %tanh3A : vector<2000x128xf32>
    %add3A_45 = arith.addf %mul3A, %mul3A_44 : vector<2000x128xf32>
    %tanh3A_46 = math.tanh %add3A_45 : vector<2000x128xf32>
    %mul3A_47 = arith.mulf %logistic3A_43, %tanh3A_46 : vector<2000x128xf32>
    %get3A_48 = arith.constant 0 : index
    %get3A_49 = arith.constant 128 : index
    %get3A_50 = vector.load %arg1[%get3A_48, %get3A_49] : memref<2000x640xf32, #tpu.memory_space<vmem>>, vector<2000x128xf32>
    %convert_element_type3A_51 = arith.truncf %get3A_50 : vector<2000x128xf32> to vector<2000x128xbf16>
    %get3A_52 = arith.constant 0 : index
    %get3A_53 = arith.constant 0 : index
    %get3A_54 = vector.load %arg2[%get3A_52, %get3A_53] : memref<128x512xbf16, #tpu.memory_space<vmem>>, vector<128x512xbf16>
    %dot_general3A_55 = arith.constant dense<0.000000e+00> : vector<2000x512xf32>
    %dot_general3A_56 = tpu.matmul %convert_element_type3A_51, %get3A_54, %dot_general3A_55 {dimension_numbers = #tpu.dot_dimension_numbers<[1], [0], [0], [1], [0, 0, 1, 1], [], []>, transpose_lhs_hint = false} : vector<2000x128xbf16>, vector<128x512xbf16>, vector<2000x512xf32> -> vector<2000x512xf32>
    %convert_element_type3A_57 = arith.truncf %mul3A_47 : vector<2000x128xf32> to vector<2000x128xbf16>
    %get3A_58 = arith.constant 0 : index
    %get3A_59 = arith.constant 0 : index
    %get3A_60 = vector.load %arg3[%get3A_58, %get3A_59] : memref<128x512xbf16, #tpu.memory_space<vmem>>, vector<128x512xbf16>
    %dot_general3A_61 = arith.constant dense<0.000000e+00> : vector<2000x512xf32>
    %dot_general3A_62 = tpu.matmul %convert_element_type3A_57, %get3A_60, %dot_general3A_61 {dimension_numbers = #tpu.dot_dimension_numbers<[1], [0], [0], [1], [0, 0, 1, 1], [], []>, transpose_lhs_hint = false} : vector<2000x128xbf16>, vector<128x512xbf16>, vector<2000x512xf32> -> vector<2000x512xf32>
    %add3A_63 = arith.addf %dot_general3A_56, %dot_general3A_62 : vector<2000x512xf32>
    %add3A_64 = vector.broadcast %add3A : vector<1x512xf32> to vector<2000x512xf32>
    %add3A_65 = arith.addf %add3A_63, %add3A_64 : vector<2000x512xf32>
    %slice3A_66 = vector.extract_strided_slice %add3A_65 {offsets = [0, 0], sizes = [2000, 128], strides = [1, 1]} : vector<2000x512xf32> to vector<2000x128xf32>
    %logistic3A_67 = arith.negf %slice3A_66 : vector<2000x128xf32>
    %logistic3A_68 = math.exp %logistic3A_67 : vector<2000x128xf32>
    %logistic3A_69 = arith.constant 1.000000e+00 : f32
    %logistic3A_70 = vector.broadcast %logistic3A_69 : f32 to vector<2000x128xf32>
    %logistic3A_71 = arith.addf %logistic3A_70, %logistic3A_68 : vector<2000x128xf32>
    %logistic3A_72 = arith.divf %logistic3A_70, %logistic3A_71 : vector<2000x128xf32>
    %slice3A_73 = vector.extract_strided_slice %add3A_65 {offsets = [0, 128], sizes = [2000, 128], strides = [1, 1]} : vector<2000x512xf32> to vector<2000x128xf32>
    %logistic3A_74 = arith.negf %slice3A_73 : vector<2000x128xf32>
    %logistic3A_75 = math.exp %logistic3A_74 : vector<2000x128xf32>
    %logistic3A_76 = arith.constant 1.000000e+00 : f32
    %logistic3A_77 = vector.broadcast %logistic3A_76 : f32 to vector<2000x128xf32>
    %logistic3A_78 = arith.addf %logistic3A_77, %logistic3A_75 : vector<2000x128xf32>
    %logistic3A_79 = arith.divf %logistic3A_77, %logistic3A_78 : vector<2000x128xf32>
    %slice3A_80 = vector.extract_strided_slice %add3A_65 {offsets = [0, 256], sizes = [2000, 128], strides = [1, 1]} : vector<2000x512xf32> to vector<2000x128xf32>
    %tanh3A_81 = math.tanh %slice3A_80 : vector<2000x128xf32>
    %slice3A_82 = vector.extract_strided_slice %add3A_65 {offsets = [0, 384], sizes = [2000, 128], strides = [1, 1]} : vector<2000x512xf32> to vector<2000x128xf32>
    %logistic3A_83 = arith.negf %slice3A_82 : vector<2000x128xf32>
    %logistic3A_84 = math.exp %logistic3A_83 : vector<2000x128xf32>
    %logistic3A_85 = arith.constant 1.000000e+00 : f32
    %logistic3A_86 = vector.broadcast %logistic3A_85 : f32 to vector<2000x128xf32>
    %logistic3A_87 = arith.addf %logistic3A_86, %logistic3A_84 : vector<2000x128xf32>
    %logistic3A_88 = arith.divf %logistic3A_86, %logistic3A_87 : vector<2000x128xf32>
    %mul3A_89 = arith.mulf %logistic3A_79, %add3A_45 : vector<2000x128xf32>
    %mul3A_90 = arith.mulf %logistic3A_72, %tanh3A_81 : vector<2000x128xf32>
    %add3A_91 = arith.addf %mul3A_89, %mul3A_90 : vector<2000x128xf32>
    %tanh3A_92 = math.tanh %add3A_91 : vector<2000x128xf32>
    %mul3A_93 = arith.mulf %logistic3A_88, %tanh3A_92 : vector<2000x128xf32>
    %get3A_94 = arith.constant 0 : index
    %get3A_95 = arith.constant 256 : index
    %get3A_96 = vector.load %arg1[%get3A_94, %get3A_95] : memref<2000x640xf32, #tpu.memory_space<vmem>>, vector<2000x128xf32>
    %convert_element_type3A_97 = arith.truncf %get3A_96 : vector<2000x128xf32> to vector<2000x128xbf16>
    %get3A_98 = arith.constant 0 : index
    %get3A_99 = arith.constant 0 : index
    %get3A_100 = vector.load %arg2[%get3A_98, %get3A_99] : memref<128x512xbf16, #tpu.memory_space<vmem>>, vector<128x512xbf16>
    %dot_general3A_101 = arith.constant dense<0.000000e+00> : vector<2000x512xf32>
    %dot_general3A_102 = tpu.matmul %convert_element_type3A_97, %get3A_100, %dot_general3A_101 {dimension_numbers = #tpu.dot_dimension_numbers<[1], [0], [0], [1], [0, 0, 1, 1], [], []>, transpose_lhs_hint = false} : vector<2000x128xbf16>, vector<128x512xbf16>, vector<2000x512xf32> -> vector<2000x512xf32>
    %convert_element_type3A_103 = arith.truncf %mul3A_93 : vector<2000x128xf32> to vector<2000x128xbf16>
    %get3A_104 = arith.constant 0 : index
    %get3A_105 = arith.constant 0 : index
    %get3A_106 = vector.load %arg3[%get3A_104, %get3A_105] : memref<128x512xbf16, #tpu.memory_space<vmem>>, vector<128x512xbf16>
    %dot_general3A_107 = arith.constant dense<0.000000e+00> : vector<2000x512xf32>
    %dot_general3A_108 = tpu.matmul %convert_element_type3A_103, %get3A_106, %dot_general3A_107 {dimension_numbers = #tpu.dot_dimension_numbers<[1], [0], [0], [1], [0, 0, 1, 1], [], []>, transpose_lhs_hint = false} : vector<2000x128xbf16>, vector<128x512xbf16>, vector<2000x512xf32> -> vector<2000x512xf32>
    %add3A_109 = arith.addf %dot_general3A_102, %dot_general3A_108 : vector<2000x512xf32>
    %add3A_110 = vector.broadcast %add3A : vector<1x512xf32> to vector<2000x512xf32>
    %add3A_111 = arith.addf %add3A_109, %add3A_110 : vector<2000x512xf32>
    %slice3A_112 = vector.extract_strided_slice %add3A_111 {offsets = [0, 0], sizes = [2000, 128], strides = [1, 1]} : vector<2000x512xf32> to vector<2000x128xf32>
    %logistic3A_113 = arith.negf %slice3A_112 : vector<2000x128xf32>
    %logistic3A_114 = math.exp %logistic3A_113 : vector<2000x128xf32>
    %logistic3A_115 = arith.constant 1.000000e+00 : f32
    %logistic3A_116 = vector.broadcast %logistic3A_115 : f32 to vector<2000x128xf32>
    %logistic3A_117 = arith.addf %logistic3A_116, %logistic3A_114 : vector<2000x128xf32>
    %logistic3A_118 = arith.divf %logistic3A_116, %logistic3A_117 : vector<2000x128xf32>
    %slice3A_119 = vector.extract_strided_slice %add3A_111 {offsets = [0, 128], sizes = [2000, 128], strides = [1, 1]} : vector<2000x512xf32> to vector<2000x128xf32>
    %logistic3A_120 = arith.negf %slice3A_119 : vector<2000x128xf32>
    %logistic3A_121 = math.exp %logistic3A_120 : vector<2000x128xf32>
    %logistic3A_122 = arith.constant 1.000000e+00 : f32
    %logistic3A_123 = vector.broadcast %logistic3A_122 : f32 to vector<2000x128xf32>
    %logistic3A_124 = arith.addf %logistic3A_123, %logistic3A_121 : vector<2000x128xf32>
    %logistic3A_125 = arith.divf %logistic3A_123, %logistic3A_124 : vector<2000x128xf32>
    %slice3A_126 = vector.extract_strided_slice %add3A_111 {offsets = [0, 256], sizes = [2000, 128], strides = [1, 1]} : vector<2000x512xf32> to vector<2000x128xf32>
    %tanh3A_127 = math.tanh %slice3A_126 : vector<2000x128xf32>
    %slice3A_128 = vector.extract_strided_slice %add3A_111 {offsets = [0, 384], sizes = [2000, 128], strides = [1, 1]} : vector<2000x512xf32> to vector<2000x128xf32>
    %logistic3A_129 = arith.negf %slice3A_128 : vector<2000x128xf32>
    %logistic3A_130 = math.exp %logistic3A_129 : vector<2000x128xf32>
    %logistic3A_131 = arith.constant 1.000000e+00 : f32
    %logistic3A_132 = vector.broadcast %logistic3A_131 : f32 to vector<2000x128xf32>
    %logistic3A_133 = arith.addf %logistic3A_132, %logistic3A_130 : vector<2000x128xf32>
    %logistic3A_134 = arith.divf %logistic3A_132, %logistic3A_133 : vector<2000x128xf32>
    %mul3A_135 = arith.mulf %logistic3A_125, %add3A_91 : vector<2000x128xf32>
    %mul3A_136 = arith.mulf %logistic3A_118, %tanh3A_127 : vector<2000x128xf32>
    %add3A_137 = arith.addf %mul3A_135, %mul3A_136 : vector<2000x128xf32>
    %tanh3A_138 = math.tanh %add3A_137 : vector<2000x128xf32>
    %mul3A_139 = arith.mulf %logistic3A_134, %tanh3A_138 : vector<2000x128xf32>
    %get3A_140 = arith.constant 0 : index
    %get3A_141 = arith.constant 384 : index
    %get3A_142 = vector.load %arg1[%get3A_140, %get3A_141] : memref<2000x640xf32, #tpu.memory_space<vmem>>, vector<2000x128xf32>
    %convert_element_type3A_143 = arith.truncf %get3A_142 : vector<2000x128xf32> to vector<2000x128xbf16>
    %get3A_144 = arith.constant 0 : index
    %get3A_145 = arith.constant 0 : index
    %get3A_146 = vector.load %arg2[%get3A_144, %get3A_145] : memref<128x512xbf16, #tpu.memory_space<vmem>>, vector<128x512xbf16>
    %dot_general3A_147 = arith.constant dense<0.000000e+00> : vector<2000x512xf32>
    %dot_general3A_148 = tpu.matmul %convert_element_type3A_143, %get3A_146, %dot_general3A_147 {dimension_numbers = #tpu.dot_dimension_numbers<[1], [0], [0], [1], [0, 0, 1, 1], [], []>, transpose_lhs_hint = false} : vector<2000x128xbf16>, vector<128x512xbf16>, vector<2000x512xf32> -> vector<2000x512xf32>
    %convert_element_type3A_149 = arith.truncf %mul3A_139 : vector<2000x128xf32> to vector<2000x128xbf16>
    %get3A_150 = arith.constant 0 : index
    %get3A_151 = arith.constant 0 : index
    %get3A_152 = vector.load %arg3[%get3A_150, %get3A_151] : memref<128x512xbf16, #tpu.memory_space<vmem>>, vector<128x512xbf16>
    %dot_general3A_153 = arith.constant dense<0.000000e+00> : vector<2000x512xf32>
    %dot_general3A_154 = tpu.matmul %convert_element_type3A_149, %get3A_152, %dot_general3A_153 {dimension_numbers = #tpu.dot_dimension_numbers<[1], [0], [0], [1], [0, 0, 1, 1], [], []>, transpose_lhs_hint = false} : vector<2000x128xbf16>, vector<128x512xbf16>, vector<2000x512xf32> -> vector<2000x512xf32>
    %add3A_155 = arith.addf %dot_general3A_148, %dot_general3A_154 : vector<2000x512xf32>
    %add3A_156 = vector.broadcast %add3A : vector<1x512xf32> to vector<2000x512xf32>
    %add3A_157 = arith.addf %add3A_155, %add3A_156 : vector<2000x512xf32>
    %slice3A_158 = vector.extract_strided_slice %add3A_157 {offsets = [0, 0], sizes = [2000, 128], strides = [1, 1]} : vector<2000x512xf32> to vector<2000x128xf32>
    %logistic3A_159 = arith.negf %slice3A_158 : vector<2000x128xf32>
    %logistic3A_160 = math.exp %logistic3A_159 : vector<2000x128xf32>
    %logistic3A_161 = arith.constant 1.000000e+00 : f32
    %logistic3A_162 = vector.broadcast %logistic3A_161 : f32 to vector<2000x128xf32>
    %logistic3A_163 = arith.addf %logistic3A_162, %logistic3A_160 : vector<2000x128xf32>
    %logistic3A_164 = arith.divf %logistic3A_162, %logistic3A_163 : vector<2000x128xf32>
    %slice3A_165 = vector.extract_strided_slice %add3A_157 {offsets = [0, 128], sizes = [2000, 128], strides = [1, 1]} : vector<2000x512xf32> to vector<2000x128xf32>
    %logistic3A_166 = arith.negf %slice3A_165 : vector<2000x128xf32>
    %logistic3A_167 = math.exp %logistic3A_166 : vector<2000x128xf32>
    %logistic3A_168 = arith.constant 1.000000e+00 : f32
    %logistic3A_169 = vector.broadcast %logistic3A_168 : f32 to vector<2000x128xf32>
    %logistic3A_170 = arith.addf %logistic3A_169, %logistic3A_167 : vector<2000x128xf32>
    %logistic3A_171 = arith.divf %logistic3A_169, %logistic3A_170 : vector<2000x128xf32>
    %slice3A_172 = vector.extract_strided_slice %add3A_157 {offsets = [0, 256], sizes = [2000, 128], strides = [1, 1]} : vector<2000x512xf32> to vector<2000x128xf32>
    %tanh3A_173 = math.tanh %slice3A_172 : vector<2000x128xf32>
    %slice3A_174 = vector.extract_strided_slice %add3A_157 {offsets = [0, 384], sizes = [2000, 128], strides = [1, 1]} : vector<2000x512xf32> to vector<2000x128xf32>
    %logistic3A_175 = arith.negf %slice3A_174 : vector<2000x128xf32>
    %logistic3A_176 = math.exp %logistic3A_175 : vector<2000x128xf32>
    %logistic3A_177 = arith.constant 1.000000e+00 : f32
    %logistic3A_178 = vector.broadcast %logistic3A_177 : f32 to vector<2000x128xf32>
    %logistic3A_179 = arith.addf %logistic3A_178, %logistic3A_176 : vector<2000x128xf32>
    %logistic3A_180 = arith.divf %logistic3A_178, %logistic3A_179 : vector<2000x128xf32>
    %mul3A_181 = arith.mulf %logistic3A_171, %add3A_137 : vector<2000x128xf32>
    %mul3A_182 = arith.mulf %logistic3A_164, %tanh3A_173 : vector<2000x128xf32>
    %add3A_183 = arith.addf %mul3A_181, %mul3A_182 : vector<2000x128xf32>
    %tanh3A_184 = math.tanh %add3A_183 : vector<2000x128xf32>
    %mul3A_185 = arith.mulf %logistic3A_180, %tanh3A_184 : vector<2000x128xf32>
    %get3A_186 = arith.constant 0 : index
    %get3A_187 = arith.constant 512 : index
    %get3A_188 = vector.load %arg1[%get3A_186, %get3A_187] : memref<2000x640xf32, #tpu.memory_space<vmem>>, vector<2000x128xf32>
    %convert_element_type3A_189 = arith.truncf %get3A_188 : vector<2000x128xf32> to vector<2000x128xbf16>
    %get3A_190 = arith.constant 0 : index
    %get3A_191 = arith.constant 0 : index
    %get3A_192 = vector.load %arg2[%get3A_190, %get3A_191] : memref<128x512xbf16, #tpu.memory_space<vmem>>, vector<128x512xbf16>
    %dot_general3A_193 = arith.constant dense<0.000000e+00> : vector<2000x512xf32>
    %dot_general3A_194 = tpu.matmul %convert_element_type3A_189, %get3A_192, %dot_general3A_193 {dimension_numbers = #tpu.dot_dimension_numbers<[1], [0], [0], [1], [0, 0, 1, 1], [], []>, transpose_lhs_hint = false} : vector<2000x128xbf16>, vector<128x512xbf16>, vector<2000x512xf32> -> vector<2000x512xf32>
    %convert_element_type3A_195 = arith.truncf %mul3A_185 : vector<2000x128xf32> to vector<2000x128xbf16>
    %get3A_196 = arith.constant 0 : index
    %get3A_197 = arith.constant 0 : index
    %get3A_198 = vector.load %arg3[%get3A_196, %get3A_197] : memref<128x512xbf16, #tpu.memory_space<vmem>>, vector<128x512xbf16>
    %dot_general3A_199 = arith.constant dense<0.000000e+00> : vector<2000x512xf32>
    %dot_general3A_200 = tpu.matmul %convert_element_type3A_195, %get3A_198, %dot_general3A_199 {dimension_numbers = #tpu.dot_dimension_numbers<[1], [0], [0], [1], [0, 0, 1, 1], [], []>, transpose_lhs_hint = false} : vector<2000x128xbf16>, vector<128x512xbf16>, vector<2000x512xf32> -> vector<2000x512xf32>
    %add3A_201 = arith.addf %dot_general3A_194, %dot_general3A_200 : vector<2000x512xf32>
    %add3A_202 = vector.broadcast %add3A : vector<1x512xf32> to vector<2000x512xf32>
    %add3A_203 = arith.addf %add3A_201, %add3A_202 : vector<2000x512xf32>
    %slice3A_204 = vector.extract_strided_slice %add3A_203 {offsets = [0, 0], sizes = [2000, 128], strides = [1, 1]} : vector<2000x512xf32> to vector<2000x128xf32>
    %logistic3A_205 = arith.negf %slice3A_204 : vector<2000x128xf32>
    %logistic3A_206 = math.exp %logistic3A_205 : vector<2000x128xf32>
    %logistic3A_207 = arith.constant 1.000000e+00 : f32
    %logistic3A_208 = vector.broadcast %logistic3A_207 : f32 to vector<2000x128xf32>
    %logistic3A_209 = arith.addf %logistic3A_208, %logistic3A_206 : vector<2000x128xf32>
    %logistic3A_210 = arith.divf %logistic3A_208, %logistic3A_209 : vector<2000x128xf32>
    %slice3A_211 = vector.extract_strided_slice %add3A_203 {offsets = [0, 128], sizes = [2000, 128], strides = [1, 1]} : vector<2000x512xf32> to vector<2000x128xf32>
    %logistic3A_212 = arith.negf %slice3A_211 : vector<2000x128xf32>
    %logistic3A_213 = math.exp %logistic3A_212 : vector<2000x128xf32>
    %logistic3A_214 = arith.constant 1.000000e+00 : f32
    %logistic3A_215 = vector.broadcast %logistic3A_214 : f32 to vector<2000x128xf32>
    %logistic3A_216 = arith.addf %logistic3A_215, %logistic3A_213 : vector<2000x128xf32>
    %logistic3A_217 = arith.divf %logistic3A_215, %logistic3A_216 : vector<2000x128xf32>
    %slice3A_218 = vector.extract_strided_slice %add3A_203 {offsets = [0, 256], sizes = [2000, 128], strides = [1, 1]} : vector<2000x512xf32> to vector<2000x128xf32>
    %tanh3A_219 = math.tanh %slice3A_218 : vector<2000x128xf32>
    %slice3A_220 = vector.extract_strided_slice %add3A_203 {offsets = [0, 384], sizes = [2000, 128], strides = [1, 1]} : vector<2000x512xf32> to vector<2000x128xf32>
    %logistic3A_221 = arith.negf %slice3A_220 : vector<2000x128xf32>
    %logistic3A_222 = math.exp %logistic3A_221 : vector<2000x128xf32>
    %logistic3A_223 = arith.constant 1.000000e+00 : f32
    %logistic3A_224 = vector.broadcast %logistic3A_223 : f32 to vector<2000x128xf32>
    %logistic3A_225 = arith.addf %logistic3A_224, %logistic3A_222 : vector<2000x128xf32>
    %logistic3A_226 = arith.divf %logistic3A_224, %logistic3A_225 : vector<2000x128xf32>
    %mul3A_227 = arith.mulf %logistic3A_217, %add3A_183 : vector<2000x128xf32>
    %mul3A_228 = arith.mulf %logistic3A_210, %tanh3A_219 : vector<2000x128xf32>
    %add3A_229 = arith.addf %mul3A_227, %mul3A_228 : vector<2000x128xf32>
    %tanh3A_230 = math.tanh %add3A_229 : vector<2000x128xf32>
    %mul3A_231 = arith.mulf %logistic3A_226, %tanh3A_230 : vector<2000x128xf32>
    %swap3A = arith.constant 0 : index
    %swap3A_232 = arith.constant 0 : index
    %swap3A_233 = vector.load %arg6[%swap3A, %swap3A_232] : memref<2000x128xf32, #tpu.memory_space<vmem>>, vector<2000x128xf32>
    tpu.vector_store %arg6[%swap3A, %swap3A_232], %mul3A_231 {strides = array<i32>} : memref<2000x128xf32, #tpu.memory_space<vmem>>, vector<2000x128xf32>,
    return
  }
  func.func @transform_0(%arg0: i32) -> (i32, i32) {
    %c0_i32 = arith.constant 0 : i32
    %c0_i32_0 = arith.constant 0 : i32
    return %arg0, %c0_i32 : i32, i32
  }
  func.func @transform_1(%arg0: i32) -> (i32, i32) {
    %c0_i32 = arith.constant 0 : i32
    %c0_i32_0 = arith.constant 0 : i32
    %c0_i32_1 = arith.constant 0 : i32
    return %c0_i32, %c0_i32_0 : i32, i32
  }
  func.func @transform_2(%arg0: i32) -> (i32, i32) {
    %c0_i32 = arith.constant 0 : i32
    %c0_i32_0 = arith.constant 0 : i32
    %c0_i32_1 = arith.constant 0 : i32
    return %c0_i32, %c0_i32_0 : i32, i32
  }
  func.func @transform_3(%arg0: i32) -> (i32, i32) {
    %c0_i32 = arith.constant 0 : i32
    %c0_i32_0 = arith.constant 0 : i32
    %c0_i32_1 = arith.constant 0 : i32
    return %c0_i32, %c0_i32_0 : i32, i32
  }
  func.func @transform_4(%arg0: i32) -> (i32, i32) {
    %c0_i32 = arith.constant 0 : i32
    %c0_i32_0 = arith.constant 0 : i32
    %c0_i32_1 = arith.constant 0 : i32
    return %c0_i32, %c0_i32_0 : i32, i32
  }
  func.func @transform_5(%arg0: i32) -> (i32, i32) {
    %c0_i32 = arith.constant 0 : i32
    %c0_i32_0 = arith.constant 0 : i32
    return %arg0, %c0_i32 : i32, i32
  }
}

module attributes {stable_mosaic.version = 14 : i64} {
  func.func @_y_body(%arg0: i32, %arg1: memref<2000x128xf32, #tpu.memory_space<vmem>>, %arg2: memref<128x128xf32, #tpu.memory_space<vmem>>, %arg3: memref<2000x2xf32, #tpu.memory_space<vmem>>, %arg4: memref<2000x128xf32, #tpu.memory_space<vmem>>) attributes {dimension_semantics = [#tpu.dimension_semantics<arbitrary>], iteration_bounds = array<i64: 5>, scalar_prefetch = 0 : i64, scratch_operands = 0 : i64, tpu.core_type = #tpu.core_type<tc>, window_params = [{transform_indices = @transform_0, window_bounds = array<i64: 2000, 128>}, {pipeline_mode = #tpu.pipeline_mode<synchronous>, transform_indices = @transform_1, window_bounds = array<i64: 128, 128>}, {transform_indices = @transform_2, window_bounds = array<i64: 2000, 2>}, {transform_indices = @transform_3, window_bounds = array<i64: 2000, 128>}]} {
    %get3A = arith.constant 0 : index
    %get3A_0 = arith.constant 0 : index
    %get3A_1 = vector.load %arg3[%get3A, %get3A_0] : memref<2000x2xf32, #tpu.memory_space<vmem>>, vector<2000x1xf32>
    %get3A_2 = vector.shape_cast %get3A_1 : vector<2000x1xf32> to vector<2000xf32>
    %get3A_3 = arith.constant 0 : index
    %get3A_4 = arith.constant 1 : index
    %get3A_5 = vector.load %arg3[%get3A_3, %get3A_4] : memref<2000x2xf32, #tpu.memory_space<vmem>>, vector<2000x1xf32>
    %get3A_6 = vector.shape_cast %get3A_5 : vector<2000x1xf32> to vector<2000xf32>
    %add3A = arith.addf %get3A_2, %get3A_6 : vector<2000xf32>
    %add3A_7 = arith.constant 1.000000e+00 : f32
    %add3A_8 = vector.broadcast %add3A_7 : f32 to vector<2000xf32>
    %add3A_9 = arith.addf %add3A, %add3A_8 : vector<2000xf32>
    %rsqrt3A = math.rsqrt %add3A_9 : vector<2000xf32>
    %get3A_10 = arith.constant 0 : index
    %get3A_11 = arith.constant 0 : index
    %get3A_12 = vector.load %arg1[%get3A_10, %get3A_11] : memref<2000x128xf32, #tpu.memory_space<vmem>>, vector<2000x128xf32>
    %get3A_13 = arith.constant 0 : index
    %get3A_14 = arith.constant 0 : index
    %get3A_15 = vector.load %arg2[%get3A_13, %get3A_14] : memref<128x128xf32, #tpu.memory_space<vmem>>, vector<128x128xf32>
    %dot_general3A = arith.constant dense<0.000000e+00> : vector<2000x128xf32>
    %dot_general3A_16 = tpu.matmul %get3A_12, %get3A_15, %dot_general3A {dimension_numbers = #tpu.dot_dimension_numbers<[1], [0], [0], [1], [0, 0, 1, 1], [], []>, transpose_lhs_hint = false} : vector<2000x128xf32>, vector<128x128xf32>, vector<2000x128xf32> -> vector<2000x128xf32>
    %broadcast_in_dim3A = vector.shape_cast %rsqrt3A : vector<2000xf32> to vector<2000x1xf32>
    %mul3A = vector.broadcast %broadcast_in_dim3A : vector<2000x1xf32> to vector<2000x128xf32>
    %mul3A_17 = arith.mulf %dot_general3A_16, %mul3A : vector<2000x128xf32>
    %swap3A = arith.constant 0 : index
    %swap3A_18 = arith.constant 0 : index
    %swap3A_19 = vector.load %arg4[%swap3A, %swap3A_18] : memref<2000x128xf32, #tpu.memory_space<vmem>>, vector<2000x128xf32>
    tpu.vector_store %arg4[%swap3A, %swap3A_18], %mul3A_17 {strides = array<i32>} : memref<2000x128xf32, #tpu.memory_space<vmem>>, vector<2000x128xf32>,
    return
  }
  func.func @transform_0(%arg0: i32) -> (i32, i32) {
    %c0_i32 = arith.constant 0 : i32
    %c0_i32_0 = arith.constant 0 : i32
    return %arg0, %c0_i32 : i32, i32
  }
  func.func @transform_1(%arg0: i32) -> (i32, i32) {
    %c0_i32 = arith.constant 0 : i32
    %c0_i32_0 = arith.constant 0 : i32
    %c0_i32_1 = arith.constant 0 : i32
    return %c0_i32, %c0_i32_0 : i32, i32
  }
  func.func @transform_2(%arg0: i32) -> (i32, i32) {
    %c0_i32 = arith.constant 0 : i32
    %c0_i32_0 = arith.constant 0 : i32
    return %arg0, %c0_i32 : i32, i32
  }
  func.func @transform_3(%arg0: i32) -> (i32, i32) {
    %c0_i32 = arith.constant 0 : i32
    %c0_i32_0 = arith.constant 0 : i32
    return %arg0, %c0_i32 : i32, i32
  }
}

module attributes {stable_mosaic.version = 14 : i64} {
  func.func @_fin_body(%arg0: i32, %arg1: memref<2x2000x128xf32, #tpu.memory_space<vmem>>, %arg2: memref<2000x128xf32, #tpu.memory_space<vmem>>, %arg3: memref<2000x2xf32, #tpu.memory_space<vmem>>, %arg4: memref<1x128xf32, #tpu.memory_space<vmem>>, %arg5: memref<128x128xf32, #tpu.memory_space<vmem>>, %arg6: memref<1x128xf32, #tpu.memory_space<vmem>>, %arg7: memref<2000x128xf32, #tpu.memory_space<vmem>>) attributes {dimension_semantics = [#tpu.dimension_semantics<arbitrary>], iteration_bounds = array<i64: 5>, scalar_prefetch = 0 : i64, scratch_operands = 0 : i64, tpu.core_type = #tpu.core_type<tc>, window_params = [{transform_indices = @transform_0, window_bounds = array<i64: 2, 2000, 128>}, {transform_indices = @transform_1, window_bounds = array<i64: 2000, 128>}, {transform_indices = @transform_2, window_bounds = array<i64: 2000, 2>}, {pipeline_mode = #tpu.pipeline_mode<synchronous>, transform_indices = @transform_3, window_bounds = array<i64: 1, 128>}, {pipeline_mode = #tpu.pipeline_mode<synchronous>, transform_indices = @transform_4, window_bounds = array<i64: 128, 128>}, {pipeline_mode = #tpu.pipeline_mode<synchronous>, transform_indices = @transform_5, window_bounds = array<i64: 1, 128>}, {transform_indices = @transform_6, window_bounds = array<i64: 2000, 128>}]} {
    %get3A = arith.constant 0 : index
    %get3A_0 = arith.constant 0 : index
    %get3A_1 = vector.load %arg3[%get3A, %get3A_0] : memref<2000x2xf32, #tpu.memory_space<vmem>>, vector<2000x1xf32>
    %get3A_2 = vector.shape_cast %get3A_1 : vector<2000x1xf32> to vector<2000xf32>
    %get3A_3 = arith.constant 0 : index
    %get3A_4 = arith.constant 1 : index
    %get3A_5 = vector.load %arg3[%get3A_3, %get3A_4] : memref<2000x2xf32, #tpu.memory_space<vmem>>, vector<2000x1xf32>
    %get3A_6 = vector.shape_cast %get3A_5 : vector<2000x1xf32> to vector<2000xf32>
    %add3A = arith.addf %get3A_2, %get3A_6 : vector<2000xf32>
    %add3A_7 = arith.constant 1.000000e+00 : f32
    %add3A_8 = vector.broadcast %add3A_7 : f32 to vector<2000xf32>
    %add3A_9 = arith.addf %add3A, %add3A_8 : vector<2000xf32>
    %rsqrt3A = math.rsqrt %add3A_9 : vector<2000xf32>
    %get3A_10 = arith.constant 0 : index
    %get3A_11 = arith.constant 0 : index
    %get3A_12 = arith.constant 0 : index
    %get3A_13 = vector.load %arg1[%get3A_10, %get3A_11, %get3A_12] : memref<2x2000x128xf32, #tpu.memory_space<vmem>>, vector<1x2000x128xf32>
    %get3A_14 = vector.shape_cast %get3A_13 : vector<1x2000x128xf32> to vector<2000x128xf32>
    %get3A_15 = arith.constant 1 : index
    %get3A_16 = arith.constant 0 : index
    %get3A_17 = arith.constant 0 : index
    %get3A_18 = vector.load %arg1[%get3A_15, %get3A_16, %get3A_17] : memref<2x2000x128xf32, #tpu.memory_space<vmem>>, vector<1x2000x128xf32>
    %get3A_19 = vector.shape_cast %get3A_18 : vector<1x2000x128xf32> to vector<2000x128xf32>
    %add3A_20 = arith.addf %get3A_14, %get3A_19 : vector<2000x128xf32>
    %get3A_21 = arith.constant 0 : index
    %get3A_22 = arith.constant 0 : index
    %get3A_23 = vector.load %arg2[%get3A_21, %get3A_22] : memref<2000x128xf32, #tpu.memory_space<vmem>>, vector<2000x128xf32>
    %add3A_24 = arith.addf %add3A_20, %get3A_23 : vector<2000x128xf32>
    %broadcast_in_dim3A = vector.shape_cast %rsqrt3A : vector<2000xf32> to vector<2000x1xf32>
    %mul3A = vector.broadcast %broadcast_in_dim3A : vector<2000x1xf32> to vector<2000x128xf32>
    %mul3A_25 = arith.mulf %add3A_24, %mul3A : vector<2000x128xf32>
    %get3A_26 = arith.constant 0 : index
    %get3A_27 = arith.constant 0 : index
    %get3A_28 = vector.load %arg4[%get3A_26, %get3A_27] : memref<1x128xf32, #tpu.memory_space<vmem>>, vector<1x128xf32>
    %add3A_29 = vector.broadcast %get3A_28 : vector<1x128xf32> to vector<2000x128xf32>
    %add3A_30 = arith.addf %mul3A_25, %add3A_29 : vector<2000x128xf32>
    %max3A = arith.constant 0.000000e+00 : f32
    %max3A_31 = vector.broadcast %max3A : f32 to vector<2000x128xf32>
    %max3A_32 = arith.maximumf %add3A_30, %max3A_31 : vector<2000x128xf32>
    %get3A_33 = arith.constant 0 : index
    %get3A_34 = arith.constant 0 : index
    %get3A_35 = vector.load %arg5[%get3A_33, %get3A_34] : memref<128x128xf32, #tpu.memory_space<vmem>>, vector<128x128xf32>
    %dot_general3A = arith.constant dense<0.000000e+00> : vector<2000x128xf32>
    %dot_general3A_36 = tpu.matmul %max3A_32, %get3A_35, %dot_general3A {dimension_numbers = #tpu.dot_dimension_numbers<[1], [0], [0], [1], [0, 0, 1, 1], [], []>, transpose_lhs_hint = false} : vector<2000x128xf32>, vector<128x128xf32>, vector<2000x128xf32> -> vector<2000x128xf32>
    %get3A_37 = arith.constant 0 : index
    %get3A_38 = arith.constant 0 : index
    %get3A_39 = vector.load %arg6[%get3A_37, %get3A_38] : memref<1x128xf32, #tpu.memory_space<vmem>>, vector<1x128xf32>
    %add3A_40 = vector.broadcast %get3A_39 : vector<1x128xf32> to vector<2000x128xf32>
    %add3A_41 = arith.addf %dot_general3A_36, %add3A_40 : vector<2000x128xf32>
    %swap3A = arith.constant 0 : index
    %swap3A_42 = arith.constant 0 : index
    %swap3A_43 = vector.load %arg7[%swap3A, %swap3A_42] : memref<2000x128xf32, #tpu.memory_space<vmem>>, vector<2000x128xf32>
    tpu.vector_store %arg7[%swap3A, %swap3A_42], %add3A_41 {strides = array<i32>} : memref<2000x128xf32, #tpu.memory_space<vmem>>, vector<2000x128xf32>,
    return
  }
  func.func @transform_0(%arg0: i32) -> (i32, i32, i32) {
    %c0_i32 = arith.constant 0 : i32
    %c0_i32_0 = arith.constant 0 : i32
    %c0_i32_1 = arith.constant 0 : i32
    return %c0_i32, %arg0, %c0_i32_0 : i32, i32, i32
  }
  func.func @transform_1(%arg0: i32) -> (i32, i32) {
    %c0_i32 = arith.constant 0 : i32
    %c0_i32_0 = arith.constant 0 : i32
    return %arg0, %c0_i32 : i32, i32
  }
  func.func @transform_2(%arg0: i32) -> (i32, i32) {
    %c0_i32 = arith.constant 0 : i32
    %c0_i32_0 = arith.constant 0 : i32
    return %arg0, %c0_i32 : i32, i32
  }
  func.func @transform_3(%arg0: i32) -> (i32, i32) {
    %c0_i32 = arith.constant 0 : i32
    %c0_i32_0 = arith.constant 0 : i32
    %c0_i32_1 = arith.constant 0 : i32
    return %c0_i32, %c0_i32_0 : i32, i32
  }
  func.func @transform_4(%arg0: i32) -> (i32, i32) {
    %c0_i32 = arith.constant 0 : i32
    %c0_i32_0 = arith.constant 0 : i32
    %c0_i32_1 = arith.constant 0 : i32
    return %c0_i32, %c0_i32_0 : i32, i32
  }
  func.func @transform_5(%arg0: i32) -> (i32, i32) {
    %c0_i32 = arith.constant 0 : i32
    %c0_i32_0 = arith.constant 0 : i32
    %c0_i32_1 = arith.constant 0 : i32
    return %c0_i32, %c0_i32_0 : i32, i32
  }
  func.func @transform_6(%arg0: i32) -> (i32, i32) {
    %c0_i32 = arith.constant 0 : i32
    %c0_i32_0 = arith.constant 0 : i32
    return %arg0, %c0_i32 : i32, i32
  }
}

</mosaic_0001>

<sc_bundles>
// kernel: kernel.10.cloned.1.call-start
scs
__scs_entry_jumppad:
0x0: {  	(pc) =	sbr.rel $0x88, $3  }
0x1: {  	(tag) =	ssettag $0x0;
	lr =	simm.s32 $0x1  }
0x2: {  	[smem:$0x3F97] =	sst lr;
	_ =	strace $0xD0000000  }
0x3: {  	_ = 	snop  }
0x4: {  	_ = 	snop  }
0x5: {  	_ = 	snop  }
0x6: {  	_ = 	snop  }
0x7: {  	_ = 	snop  }
__scs_overlays_trampoline_lowered:
0x8: {  	[smem:$0x3FA6] =	sst s0  }
0x9: {  	[smem:$0x3FA7] =	sst s1  }
0xa: {  	[smem:$0x3FA8] =	sst s2  }
0xb: {  	[smem:$0x3FA9] =	sst s3  }
0xc: {  	[smem:$0x3FAA] =	sst s4  }
0xd: {  	[smem:$0x3FAB] =	sst s5  }
0xe: {  	[smem:$0x3FAC] =	sst s6  }
0xf: {  	[smem:$0x3FAD] =	sst s7  }
0x10: {  	[smem:$0x3FAE] =	sst s8  }
0x11: {  	[smem:$0x3FAF] =	sst s9;
	s0 =	simm.s32 @!p0 $0x0  }
0x12: {  	s1 =	sld [smem:$0x3F95];
	s0 =	simm.s32 @p0 $0x1  }
0x13: {  	[smem:$0x3FB0] =	sst s0;
	s0 =	simm.s32 @!p1 $0x0  }
0x14: {  	s2 =	sld [smem:$0x3F94];
	s0 =	simm.s32 @p1 $0x1  }
0x15: {  	[smem:$0x3FB1] =	sst s0;
	s0 =	simm.s32 @!p2 $0x0  }
0x16: {  	s3 =	sld [smem:$0x3FDB];
	s0 =	simm.s32 @p2 $0x1  }
0x17: {  	s4 =	simm.s32 $0x1BF5;
	[smem:$0x3FB3] =	sst s0  }
0x18: {  	s0 =	sld [smem:$0x3F96];
	_ =	swait.ge [sflag:s4], $0x0  }
0x19: {  	s7 =	sld [smem:$0x3F97]  }
0x1a: {  	s8 =	sadd.s32 $0xFFFFE003, lr  }
0x1b: {  	s9 =	sadd.s32 $0xFFFFFEF7, lr;
	s5 =	simm.s32 $0xFFFFFFFF;
	p2 =	slt.u32 s8, $0xFFFFF086  }
0x1c: {  	p1 =	slt.u32 s9, $0xF7A;
	s5 =	simm.s32 @!p2 $0x0  }
0x1d: {  	s5 =	simm.s32 @p1 $0x1;
	p0 =	seq.s32 s7, s2  }
0x1e: {  	s7 =	smul.u32 @!p0 $0xF7A, s2;
	p2 =	seq.s32 @!p0 s5, $0x0  }
0x1f: {  	s9 =	smul.u32 $0xF7A, s1;
	s8 =	simm.s32 @!p0 $0x1BF5;
	p2 =	por !p2, p0  }
0x20: {  	[sflag:s8] =	ssyncset.s32 @!p0 $0xFFFFF086;
	s6 =	sadd.s32 @!p0 s3, s7;
	s7 =	simm.s32 @!p0 $0x108  }
0x21: {  	s3 =	sadd.s32 s3, s9;
	s6 =	sadd.s32 @!p0 $0x88, s6;
	s7 =	simm.s32 @p2 $0x1082  }
0x22: {  	[simem:s7], [sflag:s8] =	dma.local @!p0 [hbm:s6], $0xF7A  }
0x23: {  	s9 =	sor.u32 $0xD0000000, s2;
	s6 =	simm.s32 $0x108;
	_ =	swait.ge @!p0 [sflag:s8], $0x0  }
0x24: {  	s3 =	sadd.s32 $0x88, s3;
	s6 =	simm.s32 @!p1 $0x1082;
	[sflag:s4] =	ssyncset.s32 $0xFFFFF086  }
0x25: {  	[simem:s6], [sflag:s4] =	dma.local [hbm:s3], $0xF7A  }
0x26: {  	[smem:$0x3F97] =	sst s1;
	(tag) =	ssettag s2;
	_ =	strace s9  }
0x27: {  	s1 =	sld [smem:$0x3FA7]  }
0x28: {  	s2 =	sld [smem:$0x3FA8]  }
0x29: {  	s4 =	sld [smem:$0x3FAA]  }
0x2a: {  	p0 =	seq.s32 s5, $0x0;
	s5 =	sld [smem:$0x3FAB]  }
0x2b: {  	s6 =	sld [smem:$0x3FAC]  }
0x2c: {  	s7 =	sld [smem:$0x3FAD]  }
0x2d: {  	s3 =	simm.s32 $0x108;
	s8 =	sld [smem:$0x3FAE]  }
0x2e: {  	s3 =	simm.s32 @!p0 $0x1082;
	s9 =	sld [smem:$0x3FAF]  }
0x2f: {  	lr =	sadd.s32 s0, s3;
	s0 =	sld [smem:$0x3FA6]  }
0x30: {  	s3 =	sld [smem:$0x3FA9]  }
0x31: {  	[smem:$0x3FB2] =	sst s10  }
0x32: {  	s10 =	sld [smem:$0x3FB0];
	_ =	sdelay $0x3  }
0x33: {  	p0 =	seq.s32 s10, $0x1;
	s10 =	sld [smem:$0x3FB2];
	_ =	sdelay $0x3  }
0x34: {  	[smem:$0x3FB2] =	sst s10  }
0x35: {  	s10 =	sld [smem:$0x3FB1];
	_ =	sdelay $0x3  }
0x36: {  	p1 =	seq.s32 s10, $0x1;
	s10 =	sld [smem:$0x3FB2];
	_ =	sdelay $0x3  }
0x37: {  	[smem:$0x3FB2] =	sst s10  }
0x38: {  	s10 =	sld [smem:$0x3FB3]  }
0x39: {  	_ = 	snop;
	(pc) =	sbr.ind lr, $3  }
0x3a: {  	_ = 	snop  }
0x3b: {  	_ = 	snop  }
0x3c: {  	p2 =	seq.s32 s10, $0x1;
	s10 =	sld [smem:$0x3FB2]  }
0x3d: {  	_ =	shalt  }
0x3e: {  	_ =	shalt  }
0x3f: {  	_ =	shalt  }
0x40: {  	_ =	shalt  }
0x41: {  	_ =	shalt  }
0x42: {  	_ =	shalt  }
0x43: {  	_ =	shalt  }
0x44: {  	_ =	shalt  }
0x45: {  	_ =	shalt  }
0x46: {  	_ =	shalt  }
0x47: {  	_ =	shalt  }
0x48: {  	_ =	shalt  }
0x49: {  	_ =	shalt  }
0x4a: {  	_ =	shalt  }
0x4b: {  	_ =	shalt  }
0x4c: {  	_ =	shalt  }
0x4d: {  	_ =	shalt  }
0x4e: {  	_ =	shalt  }
0x4f: {  	_ =	shalt  }
0x50: {  	_ =	shalt  }
0x51: {  	_ =	shalt  }
0x52: {  	_ =	shalt  }
0x53: {  	_ =	shalt  }
0x54: {  	_ =	shalt  }
0x55: {  	_ =	shalt  }
0x56: {  	_ =	shalt  }
0x57: {  	_ =	shalt  }
0x58: {  	_ =	shalt  }
0x59: {  	_ =	shalt  }
0x5a: {  	_ =	shalt  }
0x5b: {  	_ =	shalt  }
0x5c: {  	_ =	shalt  }
0x5d: {  	_ =	shalt  }
0x5e: {  	_ =	shalt  }
0x5f: {  	_ =	shalt  }
0x60: {  	_ =	shalt  }
0x61: {  	_ =	shalt  }
0x62: {  	_ =	shalt  }
0x63: {  	_ =	shalt  }
0x64: {  	_ =	shalt  }
0x65: {  	_ =	shalt  }
0x66: {  	_ =	shalt  }
0x67: {  	_ =	shalt  }
0x68: {  	_ =	shalt  }
0x69: {  	_ =	shalt  }
0x6a: {  	_ =	shalt  }
0x6b: {  	_ =	shalt  }
0x6c: {  	_ =	shalt  }
0x6d: {  	_ =	shalt  }
0x6e: {  	_ =	shalt  }
0x6f: {  	_ =	shalt  }
0x70: {  	_ =	shalt  }
0x71: {  	_ =	shalt  }
0x72: {  	_ =	shalt  }
0x73: {  	_ =	shalt  }
0x74: {  	_ =	shalt  }
0x75: {  	_ =	shalt  }
0x76: {  	_ =	shalt  }
0x77: {  	_ =	shalt  }
0x78: {  	_ =	shalt  }
0x79: {  	_ =	shalt  }
0x7a: {  	_ =	shalt  }
0x7b: {  	_ =	shalt  }
0x7c: {  	_ =	shalt  }
0x7d: {  	_ =	shalt  }
0x7e: {  	_ =	shalt  }
0x7f: {  	_ =	shalt  }
0x80: {  	_ =	shalt  }
0x81: {  	_ =	shalt  }
0x82: {  	_ =	shalt  }
0x83: {  	_ =	shalt  }
0x84: {  	_ =	shalt  }
0x85: {  	_ =	shalt  }
0x86: {  	_ =	shalt  }
0x87: {  	_ =	shalt  }
.Lfunc_end0:
.L_simem_size_0:
called_computation.1_lowered:
.L_overlay_start_0:
0x88: {  	s2 =	sld [smem:$0x3FD9]  }
0x89: {  	s3 =	sld [smem:$0x3FFE];
	_ =	sdelay $0x1  }
0x8a: {  	s1 =	srdreg.scid  }
0x8b: {  	s0 =	sand.u32 $0x1, s1  }
0x8c: {  	s17 =	sshll.u32 s0, $0xA;
	s2 =	sadd.s32 s3, s2  }
0x8d: {  	s2 =	sadd.s32 s2, s17  }
0x8e: {  	[smem:$0x3FBE] =	sst s2  }
0x8f: {  	_ = 	snop  }
0x90: {  	s2 =	sld [smem:$0x3FD0];
	(tm) =	ssettm $0x1  }
0x91: {  	s18 =	sld [smem:$0x3FFB];
	_ =	sdelay $0x3  }
0x92: {  	_ =	strace s18  }
0x93: {  	s3 =	sld [smem:$0x3FFC];
	_ =	sdelay $0x3  }
0x94: {  	_ =	strace s3  }
0x95: {  	s3 =	sld [smem:$0x3FFD];
	_ =	sdelay $0x3  }
0x96: {  	_ =	strace s3  }
0x97: {  	_ =	strace $0x8FFFFFFF  }
0x98: {  	s19 =	sld [smem:$0x3FDB];
	_ =	sdelay $0x1  }
0x99: {  	s4 =	simm.s32 $_scs_section_size  }
0x9a: {  	s5 =	simm.s32 $_size__tile_overlayer_lowered;
	s6 =	simm.s32 $_tile_overlayer_lowered  }
0x9b: {  	s22 =	simm.s32 $0x1BFF;
	s21 =	sshll.u32 s6, $0x1;
	s3 =	sadd.s32 s4, s19  }
0x9c: {  	s7 =	simm.s32 $0x0;
	s20 =	sshll.u32 s5, $0x1;
	s5 =	sadd.s32 s21, s3  }
0x9d: {  	[timem:s7], [sflag:s22] =	dma.local [hbm:s5], s20  }
0x9e: {  	_ =	swait.ge [sflag:s22], s20  }
0x9f: {  	s4 =	ssub.s32 $0x0, s20;
	[sflag:s22] =	ssyncset.done $0x0  }
0xa0: {  	[sflag:s22] =	ssyncadd.s32 s4;
	_ =	sdelay $0x1  }
0xa1: {  	s23 =	simm.s32 $0x1B8B  }
0xa2: {  	_ =	swait.ge [sflag:s23], $0x1  }
0xa3: {  	[sflag:s23] =	ssyncset.done $0x0  }
0xa4: {  	s25 =	simm.s32 $0x1B8E;
	s24 =	sld [smem:$0x3FFE];
	[sflag:s23] =	ssyncadd.s32 $0xFFFFFFFF  }
0xa5: {  	s26 =	simm.s32 $execute0_lowered;
	[smem:$0x3FD2] =	sst s25  }
0xa6: {  	s5 =	sshll.u32 s26, $0x1;
	_ =	strace $0x80000049;
	[dreg:$0x1] =	wrdreg $0xFFFFFFFF  }
0xa7: {  	s28 =	simm.s32 $_size_execute0_lowered;
	s3 =	sadd.s32 s3, s5;
	[dreg:$0x0] =	wrdreg $0x0  }
0xa8: {  	s5 =	sshll.u32 s28, $0x1;
	[dreg:$0x2] =	wrdreg s3  }
0xa9: {  	[dreg:$0x3] =	wrdreg s5  }
0xaa: {  	[dreg:$0x4] =	wrdreg $0xC0  }
0xab: {  	_ =	task [dreg:s7], $0x5FFFF  }
0xac: {  	[dreg:$0x1] =	wrdreg $0xFFFFFFFF  }
0xad: {  	[dreg:$0x0] =	wrdreg $0x60  }
0xae: {  	[dreg:$0x2] =	wrdreg s24  }
0xaf: {  	[dreg:$0x3] =	wrdreg s2  }
0xb0: {  	[dreg:$0x4] =	wrdreg $0xBA000  }
0xb1: {  	[dreg:$0x5] =	wrdreg $0x9  }
0xb2: {  	_ =	task.clear_ibuf [dreg:s7], $0x6FFFF;
	_ =	strace $0x90000049  }
0xb3: {  	s29 =	simm.s32 $0x9;
	_ =	strace $0x8000004B  }
0xb4: {  	_ =	swait.ge [sflag:s29], $0x1  }
0xb5: {  	[sflag:s29] =	ssyncadd.s32 $0xFFFFFFFF  }
0xb6: {  	_ =	strace $0x9000004B  }
0xb7: {  	_ =	sfence  }
0xb8: {  	s30 =	sld [smem:$0x0];
	_ =	sdelay $0x2  }
0xb9: {  	s31 =	sshll.u32 s1, $0xD;
	s1 =	sshrl.u32 s1, $0x2  }
0xba: {  	s3 =	sand.u32 $0x4000, s31;
	s1 =	sadd.s32 s1, s30  }
0xbb: {  	s0 =	sor.u32 s3, s0;
	s1 =	sshll.u32 s1, $0x11  }
0xbc: {  	s0 =	sor.u32 s1, s0  }
0xbd: {  	s0 =	sadd.s32 $0x8F2B, s0  }
0xbe: {  	[sflag:s0] =	ssyncadd.remote.s32 $0x1  }
0xbf: {  	_ =	sfence.sel $0xFFFF  }
0xc0: {  	[dreg:$0x0] =	wrdreg $0xFFFFFFFF;
	(pc) =	sbr.abs _section_cstart, $3  }
0xc1: {  	[dreg:$0x1] =	wrdreg $0xFFFFFFFF  }
0xc2: {  	_ =	task.clear_ibuf [dreg:s7], $0x2FFFF;
	_ =	strace $0x9FFFFFFF  }
0xc3: {  	(tm) =	ssettm $0x7FFFFFFF  }
tec
execute0_lowered:
.L_overlay_start_1:
0x0: {  	(tag) =	ssettag $0x1  }
0x1: {  	s0 =	rddreg [dreg:$0x0]  }
0x2: {  	s2 =	rddreg [dreg:$0x1];
	s1 =	srdreg.scid  }
0x3: {  	s3 =	rddreg [dreg:$0x2];
	s4 =	stileid.u32  }
0x4: {  	s7 =	simm.s32 $0x0;
	s28 =	simm.s32 $0x78;
	s29 =	simm.s32 $0x600  }
0x5: {  	s31 =	simm.s32 $0x4200;
	s13 =	simm.s32 $0x3;
	s6 =	smul.u32 $0x14000, s4  }
0x6: {  	s1 =	sand.u32 $0x1, s1;
	[smem:$0x7FF] =	sst s7;
	s9 =	smul.u32 $0x50000, s4  }
0x7: {  	s14 =	sadd.s32 $0x2400, s0;
	s15 =	sadd.s32 $0x17400, s0;
	s18 =	smul.u32 $0xA8, s4  }
0x8: {  	s8 =	sshll.u32 s4, $0x1;
	s11 =	sshll.u32 s4, $0x6;
	s5 =	smul.u32 $0x140000, s1  }
0x9: {  	_ =	strace $0x8000004A;
	[dreg:$0x4] =	wrdreg s15;
	s16 =	ssub.s32 $0x2, s1  }
0xa: {  	s8 =	sor.u32 s1, s8;
	s19 =	sor.u32 $0x1C0A, s11;
	s1 =	smul.u32 $0x54, s1  }
0xb: {  	s11 =	simm.s32 $0x200;
	s10 =	sshrl.u32 s16, $0x1;
	s17 =	smul.u32 $0xA80, s8  }
0xc: {  	s9 =	sshrl.u32 s9, $0x2;
	s8 =	smul.u32 $0x5400, s8;
	[dreg:$0x5] =	wrdreg s19  }
0xd: {  	s5 =	sadd.s32 s6, s5;
	s7 =	ssub.s32 s16, s10;
	s9 =	sadd.s32 s9, s3  }
0xe: {  	s1 =	sadd.s32 s1, s18;
	s10 =	simm.s32 $0x2;
	s5 =	sshrl.u32 s5, $0x3  }
0xf: {  	s12 =	sadd.s32 s14, s17;
	s8 =	sshrl.u32 s8, $0x3;
	s1 =	sshll.u32 s1, $0x5  }
0x10: {  	s26 =	smax.u32 s7, $0x1;
	s6 =	sshrl.u32 s9, $0x3;
	s9 =	simm.s32 $0x7  }
0x11: {  	s7 =	simm.s32 $0x280;
	s5 =	sadd.s32 s5, s0;
	[dreg:$0x6] =	wrdreg s12  }
0x12: {  	s20 =	sadd.s32 $0x20, s12;
	s21 =	sadd.s32 $0x40, s12;
	[dreg:$0xd] =	wrdreg s26  }
0x13: {  	s0 =	sadd.s32 $0x2460, s0;
	s8 =	sadd.s32 s14, s8;
	[dreg:$0xe] =	wrdreg s6  }
0x14: {  	s30 =	sadd.s32 s14, s1;
	s12 =	simm.s32 $0x8;
	[dreg:$0x7] =	wrdreg s20  }
0x15: {  	s14 =	simm.s32 $0x9;
	s26 =	simm.s32 $0x580;
	[dreg:$0x8] =	wrdreg s21  }
0x16: {  	s22 =	sadd.s32 s17, s0;
	s23 =	sadd.s32 $0x80, s8;
	s24 =	sadd.s32 $0xA0, s8  }
0x17: {  	s25 =	sadd.s32 $0x19C00, s5;
	s0 =	sadd.s32 s0, s1;
	s15 =	sadd.s32 $0x100, s30  }
.Ltmp0:
0x18: {  	s16 =	sadd.s32 $0x140, s30;
	[dreg:$0x9] =	wrdreg s22;
	(pc) =	sbr.rel .LBB2_1-.Ltmp0, $4  }
0x19: {  	s18 =	sadd.s32 $0xC0, s30;
	s20 =	simm.s32 $0xA;
	[dreg:$0xa] =	wrdreg s23  }
0x1a: {  	s1 =	simm.s32 $0x7E00;
	s5 =	simm.s32 $0x1;
	[dreg:$0xb] =	wrdreg s24  }
0x1b: {  	s21 =	simm.s32 $0x380;
	s8 =	simm.s32 $0x0;
	[dreg:$0xc] =	wrdreg s25  }
0x1c: {  	s17 =	sadd.s32 $0x80, s0;
	s25 =	simm.s32 $0x500;
	s0 =	simm.s32 $0x6  }
.LBB2_4:
0x1d: {  	[bflag:$0x0] =	sbarrier.arrive $0xFFFF  }
0x1e: {  	s19 =	rddreg [dreg:$0x5]  }
0x1f: {  	s4 =	rddreg [dreg:$0xc]  }
0x20: {  	s6 =	rddreg [dreg:$0xe]  }
0x21: {  	[hbm:s4], [sflag:s19] =	dma.local [spmem:s6], $0x2800  }
0x22: {  	_ =	swait.ge [sflag:s20], $0x2800  }
0x23: {  	s8 =	rddreg [dreg:$0xf]  }
0x24: {  	s30 =	rddreg [dreg:$0xd];
	s8 =	sadd.s32 $0x1, s8  }
0x25: {  	p0 =	sne.s32 s8, s30  }
.Ltmp1:
0x26: {  	_ = 	snop;
	(pc) =	sbr.rel @!p0 .LBB2_5-.Ltmp1, $3  }
0x27: {  	_ =	sdelay $0x1  }
0x28: {  	[sflag:s20] =	ssyncset.done $0x0  }
0x29: {  	[sflag:s20] =	ssyncadd.s32 $0xFFFFD800  }
.LBB2_1:
0x2a: {  	[dreg:$0xf] =	wrdreg s8  }
0x2b: {  	s4 =	rddreg [dreg:$0x4]  }
0x2c: {  	[spmem:s6], [sflag:s19] =	dma.local [hbm:s4], $0x2800  }
0x2d: {  	_ =	swait.ge [sflag:s20], $0x2800  }
0x2e: {  	[sflag:s20] =	ssyncset.done $0x0  }
0x2f: {  	[sflag:s20] =	ssyncadd.s32 $0xFFFFD800  }
0x30: {  	[bflag:$0x0] =	sbarrier.arrive $0xFFFF  }
0x31: {  	s4 =	simm.s32 $0x0;
	s23 =	rddreg [dreg:$0x6]  }
0x32: {  	[tilespmem:s4], [sflag:$0x4] =	stream.linear.gather [hbm4b:s23+s4], $0x100, $0x38;
	[tilespmem:$0x1FA00] =	vst v63  }
0x33: {  	s19 =	simm.s32 $0x100;
	s24 =	rddreg [dreg:$0x7]  }
0x34: {  	[tilespmem:s19], [sflag:$0x5] =	stream.linear.gather [hbm4b:s24+s4], $0x100, $0x38;
	[tilespmem:$0x1FA00] =	vst v63  }
0x35: {  	s22 =	simm.s32 $0x200;
	s30 =	rddreg [dreg:$0x8]  }
0x36: {  	[tilespmem:s22], [sflag:$0x6] =	stream.linear.gather [hbm4b:s30+s4], $0x100, $0x38;
	[tilespmem:$0x1FA00] =	vst v63  }
0x37: {  	s8 =	rddreg [dreg:$0x9];
	s23 =	simm.s32 $0x300  }
0x38: {  	[tilespmem:s23], [sflag:$0x7] =	stream.linear.gather [hbm4b:s8+s4], $0x100, $0x38;
	[tilespmem:$0x1FA00] =	vst v63  }
0x39: {  	s24 =	rddreg [dreg:$0xa];
	s30 =	simm.s32 $0x400  }
0x3a: {  	[tilespmem:s30], [sflag:$0x8] =	stream.linear.gather [hbm4b:s24+s4], $0x100, $0x38;
	[tilespmem:$0x1FA00] =	vst v63  }
0x3b: {  	s23 =	rddreg [dreg:$0xb];
	s24 =	simm.s32 $0x4  }
0x3c: {  	[tilespmem:s25], [sflag:$0x9] =	stream.linear.gather [hbm4b:s23+s4], $0x100, $0x38;
	[tilespmem:$0x1FA00] =	vst v63  }
0x3d: {  	_ =	swait.ge [sflag:s24], $0x100  }
0x3e: {  	[sflag:s24] =	ssyncset.done $0x0  }
0x3f: {  	s30 =	simm.s32 $0x5;
	[sflag:s24] =	ssyncadd.s32 $0xFFFFFF00  }
0x40: {  	[tilespmem:s29], [sflag:$0x1] =	stream.indirect.gather [hbm4b:s2+s28], $0x80, s4, s28, $0xb8;
	[tilespmem:$0x1FA00] =	vst v63  }
0x41: {  	_ =	swait.ge [sflag:s30], $0x100  }
0x42: {  	[sflag:s30] =	ssyncset.done $0x0  }
0x43: {  	[sflag:s30] =	ssyncadd.s32 $0xFFFFFF00  }
0x44: {  	[tilespmem:s31], [sflag:$0x2] =	stream.indirect.gather [hbm4b:s2+s28], $0x80, s19, s28, $0xb8;
	[tilespmem:$0x1FA00] =	vst v63  }
0x45: {  	_ =	swait.ge [sflag:s0], $0x100  }
0x46: {  	[sflag:s0] =	ssyncset.done $0x0  }
0x47: {  	s6 =	simm.s32 $0x0;
	s8 =	simm.s32 $0x0;
	[sflag:s0] =	ssyncadd.s32 $0xFFFFFF00  }
0x48: {  	[tilespmem:s1], [sflag:$0x3] =	stream.indirect.gather [hbm4b:s2+s28], $0x80, s22, s28, $0xb8;
	[tilespmem:$0x1FA00] =	vst v63  }
.LBB2_2:
0x49: {  	_ =	swait.ge [sflag:s5], $0x3C00  }
0x4a: {  	[sflag:s5] =	ssyncset.done $0x0  }
0x4b: {  	s4 =	simm.s32 $0x80;
	[sflag:s5] =	ssyncadd.s32 $0xFFFFC400  }
0x4c: {  	[spmem:s3] =	stream.indirect.scatter.add.f32 [tilespmem:s29], [sflag:$0xA], $0x80, s4, s28, $0xb8;
	[tilespmem:$0x1FA00] =	vst v63  }
0x4d: {  	_ =	swait.ge [sflag:s20], $0x3C00  }
0x4e: {  	p0 =	seq.s32 s6, $0x9C0;
	[sflag:s20] =	ssyncset.done $0x0  }
0x4f: {  	s30 =	sadd.s32 @!p0 s6, s18;
	s19 =	simm.s32 @!p0 $0x0;
	[sflag:s20] =	ssyncadd.s32 $0xFFFFC400  }
0x50: {  	[tilespmem:s19], [sflag:$0x4] =	stream.linear.gather @!p0 [hbm4b:s30+s19], $0x100, $0x38;
	[tilespmem:$0x1FA00] =	vst v63  }
0x51: {  	_ =	swait.ge [sflag:s9], $0x100  }
0x52: {  	[sflag:s9] =	ssyncset.done $0x0  }
0x53: {  	s22 =	simm.s32 $0x300;
	[sflag:s9] =	ssyncadd.s32 $0xFFFFFF00  }
0x54: {  	[tilespmem:s29], [sflag:$0x1] =	stream.indirect.gather [hbm4b:s2+s28], $0x80, s22, s28, $0xb8;
	[tilespmem:$0x1FA00] =	vst v63  }
0x55: {  	_ =	swait.ge [sflag:s10], $0x3C00  }
0x56: {  	[sflag:s10] =	ssyncset.done $0x0  }
0x57: {  	s23 =	simm.s32 $0x180;
	[sflag:s10] =	ssyncadd.s32 $0xFFFFC400  }
0x58: {  	[spmem:s3] =	stream.indirect.scatter.add.f32 [tilespmem:s31], [sflag:$0xA], $0x80, s23, s28, $0xb8;
	[tilespmem:$0x1FA00] =	vst v63  }
0x59: {  	_ =	swait.ge [sflag:s20], $0x3C00  }
0x5a: {  	[sflag:s20] =	ssyncset.done $0x0  }
0x5b: {  	s4 =	sadd.s32 @!p0 s6, s17;
	s30 =	simm.s32 @!p0 $0x100;
	[sflag:s20] =	ssyncadd.s32 $0xFFFFC400  }
0x5c: {  	[tilespmem:s30], [sflag:$0x5] =	stream.linear.gather @!p0 [hbm4b:s4+s19], $0x100, $0x38;
	[tilespmem:$0x1FA00] =	vst v63  }
0x5d: {  	_ =	swait.ge [sflag:s12], $0x100  }
0x5e: {  	[sflag:s12] =	ssyncset.done $0x0  }
0x5f: {  	s24 =	simm.s32 $0x400;
	[sflag:s12] =	ssyncadd.s32 $0xFFFFFF00  }
0x60: {  	[tilespmem:s31], [sflag:$0x2] =	stream.indirect.gather [hbm4b:s2+s28], $0x80, s24, s28, $0xb8;
	[tilespmem:$0x1FA00] =	vst v63  }
0x61: {  	_ =	swait.ge [sflag:s13], $0x3C00  }
0x62: {  	[sflag:s13] =	ssyncset.done $0x0  }
0x63: {  	[sflag:s13] =	ssyncadd.s32 $0xFFFFC400  }
0x64: {  	[spmem:s3] =	stream.indirect.scatter.add.f32 [tilespmem:s1], [sflag:$0xA], $0x80, s7, s28, $0xb8;
	[tilespmem:$0x1FA00] =	vst v63  }
0x65: {  	_ =	swait.ge [sflag:s20], $0x3C00  }
0x66: {  	[sflag:s20] =	ssyncset.done $0x0  }
0x67: {  	s22 =	simm.s32 @!p0 $0x200;
	s4 =	sadd.s32 @!p0 s6, s15;
	[sflag:s20] =	ssyncadd.s32 $0xFFFFC400  }
0x68: {  	[tilespmem:s22], [sflag:$0x6] =	stream.linear.gather @!p0 [hbm4b:s4+s19], $0x100, $0x38;
	[tilespmem:$0x1FA00] =	vst v63  }
0x69: {  	_ =	swait.ge [sflag:s14], $0x100  }
0x6a: {  	[sflag:s14] =	ssyncset.done $0x0  }
0x6b: {  	[sflag:s14] =	ssyncadd.s32 $0xFFFFFF00  }
0x6c: {  	[tilespmem:s1], [sflag:$0x3] =	stream.indirect.gather [hbm4b:s2+s28], $0x80, s25, s28, $0xb8;
	[tilespmem:$0x1FA00] =	vst v63  }
0x6d: {  	_ =	swait.ge [sflag:s5], $0x3C00  }
0x6e: {  	[sflag:s5] =	ssyncset.done $0x0  }
0x6f: {  	[sflag:s5] =	ssyncadd.s32 $0xFFFFC400  }
0x70: {  	[spmem:s3] =	stream.indirect.scatter.add.f32 [tilespmem:s29], [sflag:$0xA], $0x80, s21, s28, $0xb8;
	[tilespmem:$0x1FA00] =	vst v63  }
0x71: {  	_ =	swait.ge [sflag:s20], $0x3C00  }
0x72: {  	[sflag:s20] =	ssyncset.done $0x0  }
0x73: {  	s22 =	simm.s32 @p0 $0x2;
	[sflag:s20] =	ssyncadd.s32 $0xFFFFC400  }
0x74: {  	_ =	swait.ge @p0 [sflag:s22], $0x3C00  }
0x75: {  	s23 =	simm.s32 @p0 $0x480;
	[sflag:s22] =	ssyncset.done @p0 $0x0  }
0x76: {  	s24 =	simm.s32 @p0 $0x4200;
	[sflag:s22] =	ssyncadd.s32 @p0 $0xFFFFC400;
	s22 =	simm.s32 @p0 $0x78  }
0x77: {  	[spmem:s3] =	stream.indirect.scatter.add.f32 @p0 [tilespmem:s24], [sflag:$0xA], $0x80, s23, s22, $0xb8;
	[tilespmem:$0x1FA00] =	vst v63  }
0x78: {  	s22 =	simm.s32 @p0 $0xA  }
0x79: {  	_ =	swait.ge @p0 [sflag:s22], $0x3C00  }
0x7a: {  	[sflag:s22] =	ssyncset.done @p0 $0x0  }
0x7b: {  	s4 =	sadd.s32 @!p0 $0x20, s4;
	[sflag:s22] =	ssyncadd.s32 @p0 $0xFFFFC400;
	s22 =	simm.s32 @!p0 $0x300  }
0x7c: {  	[tilespmem:s22], [sflag:$0x7] =	stream.linear.gather @!p0 [hbm4b:s4+s19], $0x100, $0x38;
	[tilespmem:$0x1FA00] =	vst v63  }
0x7d: {  	s4 =	simm.s32 @!p0 $0x4  }
0x7e: {  	_ =	swait.ge @!p0 [sflag:s4], $0x100  }
0x7f: {  	[sflag:s4] =	ssyncset.done @!p0 $0x0  }
0x80: {  	s22 =	simm.s32 @!p0 $0x600;
	[sflag:s4] =	ssyncadd.s32 @!p0 $0xFFFFFF00;
	s4 =	simm.s32 @!p0 $0x78  }
0x81: {  	[tilespmem:s22], [sflag:$0x1] =	stream.indirect.gather @!p0 [hbm4b:s2+s4], $0x80, s19, s4, $0xb8;
	[tilespmem:$0x1FA00] =	vst v63  }
0x82: {  	s22 =	simm.s32 @!p0 $0x2  }
0x83: {  	_ =	swait.ge @!p0 [sflag:s22], $0x3C00  }
0x84: {  	[sflag:s22] =	ssyncset.done @!p0 $0x0  }
0x85: {  	s23 =	simm.s32 @!p0 $0x4200;
	[sflag:s22] =	ssyncadd.s32 @!p0 $0xFFFFC400;
	s22 =	simm.s32 @!p0 $0x480  }
0x86: {  	[spmem:s3] =	stream.indirect.scatter.add.f32 @!p0 [tilespmem:s23], [sflag:$0xA], $0x80, s22, s4, $0xb8;
	[tilespmem:$0x1FA00] =	vst v63  }
0x87: {  	s22 =	simm.s32 @!p0 $0xA  }
0x88: {  	_ =	swait.ge @!p0 [sflag:s22], $0x3C00  }
0x89: {  	[sflag:s22] =	ssyncset.done @!p0 $0x0  }
0x8a: {  	s24 =	simm.s32 @!p0 $0x400;
	[sflag:s22] =	ssyncadd.s32 @!p0 $0xFFFFC400;
	s22 =	sadd.s32 @!p0 s6, s16  }
0x8b: {  	[tilespmem:s24], [sflag:$0x8] =	stream.linear.gather @!p0 [hbm4b:s22+s19], $0x100, $0x38;
	[tilespmem:$0x1FA00] =	vst v63  }
0x8c: {  	s19 =	simm.s32 @!p0 $0x5  }
0x8d: {  	_ =	swait.ge @!p0 [sflag:s19], $0x100  }
0x8e: {  	[sflag:s19] =	ssyncset.done @!p0 $0x0  }
0x8f: {  	[sflag:s19] =	ssyncadd.s32 @!p0 $0xFFFFFF00  }
0x90: {  	[tilespmem:s23], [sflag:$0x2] =	stream.indirect.gather @!p0 [hbm4b:s2+s4], $0x80, s30, s4, $0xb8;
	[tilespmem:$0x1FA00] =	vst v63  }
0x91: {  	_ =	swait.ge [sflag:s13], $0x3C00  }
0x92: {  	[sflag:s13] =	ssyncset.done $0x0  }
.Ltmp2:
0x93: {  	[sflag:s13] =	ssyncadd.s32 $0xFFFFC400;
	(pc) =	sbr.rel @p0 .LBB2_4-.Ltmp2, $4  }
0x94: {  	[spmem:s3] =	stream.indirect.scatter.add.f32 [tilespmem:s1], [sflag:$0xA], $0x80, s26, s28, $0xb8;
	[tilespmem:$0x1FA00] =	vst v63  }
0x95: {  	_ =	swait.ge [sflag:s20], $0x3C00  }
0x96: {  	[sflag:s20] =	ssyncset.done $0x0  }
0x97: {  	[sflag:s20] =	ssyncadd.s32 $0xFFFFC400  }
0x98: {  	s4 =	sadd.s32 s6, s15  }
0x99: {  	s4 =	sadd.s32 $0x60, s4  }
0x9a: {  	[tilespmem:s25], [sflag:$0x9] =	stream.linear.gather [hbm4b:s4+s8], $0x100, $0x38;
	[tilespmem:$0x1FA00] =	vst v63  }
.Ltmp3:
0x9b: {  	_ = 	snop;
	(pc) =	sbr.rel .LBB2_2-.Ltmp3, $4  }
0x9c: {  	_ =	swait.ge [sflag:s0], $0x100  }
0x9d: {  	[sflag:s0] =	ssyncset.done $0x0  }
0x9e: {  	s6 =	sadd.s32 $0xC0, s6;
	[sflag:s0] =	ssyncadd.s32 $0xFFFFFF00  }
0x9f: {  	[tilespmem:s1], [sflag:$0x3] =	stream.indirect.gather [hbm4b:s2+s28], $0x80, s11, s28, $0xb8;
	[tilespmem:$0x1FA00] =	vst v63  }
.LBB2_5:
0xa0: {  	_ =	sfence.sel $0x180000  }
0xa1: {  	[bflag:$0x0] =	sbarrier.arrive $0xFFFF  }
0xa2: {  	_ =	strace $0x9000004A  }
0xa3: {  	s0 =	stileid.u32;
	[bflag:$0x2] =	sbarrier.arrive $0xFFFF  }
0xa4: {  	p0 =	sne.s32 s0, $0x0;
	s0 =	rddreg [dreg:$0x3]  }
0xa5: {  	s0 =	sadd.s32 @!p0 $0x100000, s0  }
0xa6: {  	[sflag:s0] =	ssyncadd.tile.s32 @!p0 $0x1;
	_ =	shalt  }
.Lfunc_end2:
_tile_overlayer_lowered:
.L_overlay_start_2:
0xa7: {  	(tag) =	ssettag $0x2  }
0xa8: {  	s0 =	rddreg [dreg:$0x0];
	s2 =	stileid.u32  }
0xa9: {  	s1 =	rddreg [dreg:$0x1];
	p0 =	sne.s32 s2, $0x0  }
0xaa: {  	s3 =	rddreg [dreg:$0x2];
	[bflag:$0x3] =	sbarrier.arrive $0xFFFF;
	s2 =	simm.s32 @!p0 $0x1C0A  }
0xab: {  	[timem:s3], [sflag:s2] =	dma.local @!p0 [hbm:s0], s1  }
0xac: {  	s0 =	simm.s32 @!p0 $0xA  }
0xad: {  	_ =	swait.ge @!p0 [sflag:s0], s1  }
0xae: {  	s1 =	ssub.s32 @!p0 $0x0, s1;
	[sflag:s0] =	ssyncset.done @!p0 $0x0  }
0xaf: {  	[sflag:s0] =	ssyncadd.s32 @!p0 s1  }
0xb0: {  	[bflag:$0x3] =	sbarrier.arrive $0xFFFF  }
0xb1: {  	_ =	shalt  }

// kernel: kernel.7.cloned.1.call-start
scs
__scs_entry_jumppad:
0x0: {  	(pc) =	sbr.rel $0x88, $3  }
0x1: {  	(tag) =	ssettag $0x0;
	lr =	simm.s32 $0x1  }
0x2: {  	[smem:$0x3F97] =	sst lr;
	_ =	strace $0xD0000000  }
0x3: {  	_ = 	snop  }
0x4: {  	_ = 	snop  }
0x5: {  	_ = 	snop  }
0x6: {  	_ = 	snop  }
0x7: {  	_ = 	snop  }
__scs_overlays_trampoline_lowered:
0x8: {  	[smem:$0x3FA6] =	sst s0  }
0x9: {  	[smem:$0x3FA7] =	sst s1  }
0xa: {  	[smem:$0x3FA8] =	sst s2  }
0xb: {  	[smem:$0x3FA9] =	sst s3  }
0xc: {  	[smem:$0x3FAA] =	sst s4  }
0xd: {  	[smem:$0x3FAB] =	sst s5  }
0xe: {  	[smem:$0x3FAC] =	sst s6  }
0xf: {  	[smem:$0x3FAD] =	sst s7  }
0x10: {  	[smem:$0x3FAE] =	sst s8  }
0x11: {  	[smem:$0x3FAF] =	sst s9;
	s0 =	simm.s32 @!p0 $0x0  }
0x12: {  	s1 =	sld [smem:$0x3F95];
	s0 =	simm.s32 @p0 $0x1  }
0x13: {  	[smem:$0x3FB0] =	sst s0;
	s0 =	simm.s32 @!p1 $0x0  }
0x14: {  	s2 =	sld [smem:$0x3F94];
	s0 =	simm.s32 @p1 $0x1  }
0x15: {  	[smem:$0x3FB1] =	sst s0;
	s0 =	simm.s32 @!p2 $0x0  }
0x16: {  	s3 =	sld [smem:$0x3FDB];
	s0 =	simm.s32 @p2 $0x1  }
0x17: {  	s4 =	simm.s32 $0x1BF5;
	[smem:$0x3FB3] =	sst s0  }
0x18: {  	s0 =	sld [smem:$0x3F96];
	_ =	swait.ge [sflag:s4], $0x0  }
0x19: {  	s7 =	sld [smem:$0x3F97]  }
0x1a: {  	s8 =	sadd.s32 $0xFFFFE003, lr  }
0x1b: {  	s9 =	sadd.s32 $0xFFFFFEF7, lr;
	s5 =	simm.s32 $0xFFFFFFFF;
	p2 =	slt.u32 s8, $0xFFFFF086  }
0x1c: {  	p1 =	slt.u32 s9, $0xF7A;
	s5 =	simm.s32 @!p2 $0x0  }
0x1d: {  	s5 =	simm.s32 @p1 $0x1;
	p0 =	seq.s32 s7, s2  }
0x1e: {  	s7 =	smul.u32 @!p0 $0xF7A, s2;
	p2 =	seq.s32 @!p0 s5, $0x0  }
0x1f: {  	s9 =	smul.u32 $0xF7A, s1;
	s8 =	simm.s32 @!p0 $0x1BF5;
	p2 =	por !p2, p0  }
0x20: {  	[sflag:s8] =	ssyncset.s32 @!p0 $0xFFFFF086;
	s6 =	sadd.s32 @!p0 s3, s7;
	s7 =	simm.s32 @!p0 $0x108  }
0x21: {  	s3 =	sadd.s32 s3, s9;
	s6 =	sadd.s32 @!p0 $0x88, s6;
	s7 =	simm.s32 @p2 $0x1082  }
0x22: {  	[simem:s7], [sflag:s8] =	dma.local @!p0 [hbm:s6], $0xF7A  }
0x23: {  	s9 =	sor.u32 $0xD0000000, s2;
	s6 =	simm.s32 $0x108;
	_ =	swait.ge @!p0 [sflag:s8], $0x0  }
0x24: {  	s3 =	sadd.s32 $0x88, s3;
	s6 =	simm.s32 @!p1 $0x1082;
	[sflag:s4] =	ssyncset.s32 $0xFFFFF086  }
0x25: {  	[simem:s6], [sflag:s4] =	dma.local [hbm:s3], $0xF7A  }
0x26: {  	[smem:$0x3F97] =	sst s1;
	(tag) =	ssettag s2;
	_ =	strace s9  }
0x27: {  	s1 =	sld [smem:$0x3FA7]  }
0x28: {  	s2 =	sld [smem:$0x3FA8]  }
0x29: {  	s4 =	sld [smem:$0x3FAA]  }
0x2a: {  	p0 =	seq.s32 s5, $0x0;
	s5 =	sld [smem:$0x3FAB]  }
0x2b: {  	s6 =	sld [smem:$0x3FAC]  }
0x2c: {  	s7 =	sld [smem:$0x3FAD]  }
0x2d: {  	s3 =	simm.s32 $0x108;
	s8 =	sld [smem:$0x3FAE]  }
0x2e: {  	s3 =	simm.s32 @!p0 $0x1082;
	s9 =	sld [smem:$0x3FAF]  }
0x2f: {  	lr =	sadd.s32 s0, s3;
	s0 =	sld [smem:$0x3FA6]  }
0x30: {  	s3 =	sld [smem:$0x3FA9]  }
0x31: {  	[smem:$0x3FB2] =	sst s10  }
0x32: {  	s10 =	sld [smem:$0x3FB0];
	_ =	sdelay $0x3  }
0x33: {  	p0 =	seq.s32 s10, $0x1;
	s10 =	sld [smem:$0x3FB2];
	_ =	sdelay $0x3  }
0x34: {  	[smem:$0x3FB2] =	sst s10  }
0x35: {  	s10 =	sld [smem:$0x3FB1];
	_ =	sdelay $0x3  }
0x36: {  	p1 =	seq.s32 s10, $0x1;
	s10 =	sld [smem:$0x3FB2];
	_ =	sdelay $0x3  }
0x37: {  	[smem:$0x3FB2] =	sst s10  }
0x38: {  	s10 =	sld [smem:$0x3FB3]  }
0x39: {  	_ = 	snop;
	(pc) =	sbr.ind lr, $3  }
0x3a: {  	_ = 	snop  }
0x3b: {  	_ = 	snop  }
0x3c: {  	p2 =	seq.s32 s10, $0x1;
	s10 =	sld [smem:$0x3FB2]  }
0x3d: {  	_ =	shalt  }
0x3e: {  	_ =	shalt  }
0x3f: {  	_ =	shalt  }
0x40: {  	_ =	shalt  }
0x41: {  	_ =	shalt  }
0x42: {  	_ =	shalt  }
0x43: {  	_ =	shalt  }
0x44: {  	_ =	shalt  }
0x45: {  	_ =	shalt  }
0x46: {  	_ =	shalt  }
0x47: {  	_ =	shalt  }
0x48: {  	_ =	shalt  }
0x49: {  	_ =	shalt  }
0x4a: {  	_ =	shalt  }
0x4b: {  	_ =	shalt  }
0x4c: {  	_ =	shalt  }
0x4d: {  	_ =	shalt  }
0x4e: {  	_ =	shalt  }
0x4f: {  	_ =	shalt  }
0x50: {  	_ =	shalt  }
0x51: {  	_ =	shalt  }
0x52: {  	_ =	shalt  }
0x53: {  	_ =	shalt  }
0x54: {  	_ =	shalt  }
0x55: {  	_ =	shalt  }
0x56: {  	_ =	shalt  }
0x57: {  	_ =	shalt  }
0x58: {  	_ =	shalt  }
0x59: {  	_ =	shalt  }
0x5a: {  	_ =	shalt  }
0x5b: {  	_ =	shalt  }
0x5c: {  	_ =	shalt  }
0x5d: {  	_ =	shalt  }
0x5e: {  	_ =	shalt  }
0x5f: {  	_ =	shalt  }
0x60: {  	_ =	shalt  }
0x61: {  	_ =	shalt  }
0x62: {  	_ =	shalt  }
0x63: {  	_ =	shalt  }
0x64: {  	_ =	shalt  }
0x65: {  	_ =	shalt  }
0x66: {  	_ =	shalt  }
0x67: {  	_ =	shalt  }
0x68: {  	_ =	shalt  }
0x69: {  	_ =	shalt  }
0x6a: {  	_ =	shalt  }
0x6b: {  	_ =	shalt  }
0x6c: {  	_ =	shalt  }
0x6d: {  	_ =	shalt  }
0x6e: {  	_ =	shalt  }
0x6f: {  	_ =	shalt  }
0x70: {  	_ =	shalt  }
0x71: {  	_ =	shalt  }
0x72: {  	_ =	shalt  }
0x73: {  	_ =	shalt  }
0x74: {  	_ =	shalt  }
0x75: {  	_ =	shalt  }
0x76: {  	_ =	shalt  }
0x77: {  	_ =	shalt  }
0x78: {  	_ =	shalt  }
0x79: {  	_ =	shalt  }
0x7a: {  	_ =	shalt  }
0x7b: {  	_ =	shalt  }
0x7c: {  	_ =	shalt  }
0x7d: {  	_ =	shalt  }
0x7e: {  	_ =	shalt  }
0x7f: {  	_ =	shalt  }
0x80: {  	_ =	shalt  }
0x81: {  	_ =	shalt  }
0x82: {  	_ =	shalt  }
0x83: {  	_ =	shalt  }
0x84: {  	_ =	shalt  }
0x85: {  	_ =	shalt  }
0x86: {  	_ =	shalt  }
0x87: {  	_ =	shalt  }
.Lfunc_end0:
.L_simem_size_0:
called_computation_lowered:
.L_overlay_start_0:
0x88: {  	s2 =	sld [smem:$0x3FD9]  }
0x89: {  	s3 =	sld [smem:$0x3FFE];
	_ =	sdelay $0x1  }
0x8a: {  	s1 =	srdreg.scid  }
0x8b: {  	s0 =	sand.u32 $0x1, s1  }
0x8c: {  	s17 =	sshll.u32 s0, $0xA;
	s2 =	sadd.s32 s3, s2  }
0x8d: {  	s2 =	sadd.s32 s2, s17  }
0x8e: {  	[smem:$0x3FBE] =	sst s2  }
0x8f: {  	_ = 	snop  }
0x90: {  	s2 =	sld [smem:$0x3FD0];
	(tm) =	ssettm $0x1  }
0x91: {  	s18 =	sld [smem:$0x3FFB];
	_ =	sdelay $0x3  }
0x92: {  	_ =	strace s18  }
0x93: {  	s3 =	sld [smem:$0x3FFC];
	_ =	sdelay $0x3  }
0x94: {  	_ =	strace s3  }
0x95: {  	s3 =	sld [smem:$0x3FFD];
	_ =	sdelay $0x3  }
0x96: {  	_ =	strace s3  }
0x97: {  	_ =	strace $0x8FFFFFFF  }
0x98: {  	s19 =	sld [smem:$0x3FDB];
	_ =	sdelay $0x1  }
0x99: {  	s4 =	simm.s32 $_scs_section_size  }
0x9a: {  	s5 =	simm.s32 $_size__tile_overlayer_lowered;
	s6 =	simm.s32 $_tile_overlayer_lowered  }
0x9b: {  	s22 =	simm.s32 $0x1BFF;
	s21 =	sshll.u32 s6, $0x1;
	s3 =	sadd.s32 s4, s19  }
0x9c: {  	s7 =	simm.s32 $0x0;
	s20 =	sshll.u32 s5, $0x1;
	s5 =	sadd.s32 s21, s3  }
0x9d: {  	[timem:s7], [sflag:s22] =	dma.local [hbm:s5], s20  }
0x9e: {  	_ =	swait.ge [sflag:s22], s20  }
0x9f: {  	s4 =	ssub.s32 $0x0, s20;
	[sflag:s22] =	ssyncset.done $0x0  }
0xa0: {  	[sflag:s22] =	ssyncadd.s32 s4;
	_ =	sdelay $0x1  }
0xa1: {  	s23 =	simm.s32 $0x1B8B  }
0xa2: {  	_ =	swait.ge [sflag:s23], $0x1  }
0xa3: {  	[sflag:s23] =	ssyncset.done $0x0  }
0xa4: {  	s25 =	simm.s32 $0x1B8E;
	s24 =	sld [smem:$0x3FFE];
	[sflag:s23] =	ssyncadd.s32 $0xFFFFFFFF  }
0xa5: {  	s26 =	simm.s32 $execute0_lowered;
	[smem:$0x3FD2] =	sst s25  }
0xa6: {  	s5 =	sshll.u32 s26, $0x1;
	_ =	strace $0x80000046;
	[dreg:$0x1] =	wrdreg $0xFFFFFFFF  }
0xa7: {  	s28 =	simm.s32 $_size_execute0_lowered;
	s3 =	sadd.s32 s3, s5;
	[dreg:$0x0] =	wrdreg $0x0  }
0xa8: {  	s5 =	sshll.u32 s28, $0x1;
	[dreg:$0x2] =	wrdreg s3  }
0xa9: {  	[dreg:$0x3] =	wrdreg s5  }
0xaa: {  	[dreg:$0x4] =	wrdreg $0xC0  }
0xab: {  	_ =	task [dreg:s7], $0x5FFFF  }
0xac: {  	[dreg:$0x1] =	wrdreg $0xFFFFFFFF  }
0xad: {  	[dreg:$0x0] =	wrdreg $0x60  }
0xae: {  	[dreg:$0x2] =	wrdreg s24  }
0xaf: {  	[dreg:$0x3] =	wrdreg s2  }
0xb0: {  	[dreg:$0x4] =	wrdreg $0x54800  }
0xb1: {  	[dreg:$0x5] =	wrdreg $0x9  }
0xb2: {  	_ =	task.clear_ibuf [dreg:s7], $0x6FFFF;
	_ =	strace $0x90000046  }
0xb3: {  	s29 =	simm.s32 $0x9;
	_ =	strace $0x80000048  }
0xb4: {  	_ =	swait.ge [sflag:s29], $0x1  }
0xb5: {  	[sflag:s29] =	ssyncadd.s32 $0xFFFFFFFF  }
0xb6: {  	_ =	strace $0x90000048  }
0xb7: {  	_ =	sfence  }
0xb8: {  	s30 =	sld [smem:$0x0];
	_ =	sdelay $0x2  }
0xb9: {  	s31 =	sshll.u32 s1, $0xD;
	s1 =	sshrl.u32 s1, $0x2  }
0xba: {  	s3 =	sand.u32 $0x4000, s31;
	s1 =	sadd.s32 s1, s30  }
0xbb: {  	s0 =	sor.u32 s3, s0;
	s1 =	sshll.u32 s1, $0x11  }
0xbc: {  	s0 =	sor.u32 s1, s0  }
0xbd: {  	s0 =	sadd.s32 $0x8F2B, s0  }
0xbe: {  	[sflag:s0] =	ssyncadd.remote.s32 $0x1  }
0xbf: {  	_ =	sfence.sel $0xFFFF  }
0xc0: {  	[dreg:$0x0] =	wrdreg $0xFFFFFFFF;
	(pc) =	sbr.abs _section_cstart, $3  }
0xc1: {  	[dreg:$0x1] =	wrdreg $0xFFFFFFFF  }
0xc2: {  	_ =	task.clear_ibuf [dreg:s7], $0x2FFFF;
	_ =	strace $0x9FFFFFFF  }
0xc3: {  	(tm) =	ssettm $0x7FFFFFFF  }
tec
execute0_lowered:
.L_overlay_start_1:
0x0: {  	(tag) =	ssettag $0x1  }
0x1: {  	s4 =	rddreg [dreg:$0x0]  }
0x2: {  	s7 =	rddreg [dreg:$0x1];
	s1 =	srdreg.scid  }
0x3: {  	s0 =	stileid.u32;
	s2 =	rddreg [dreg:$0x2]  }
0x4: {  	s3 =	simm.s32 $0x0;
	s12 =	simm.s32 $0x5400;
	s13 =	simm.s32 $0x1  }
0x5: {  	s14 =	simm.s32 $0x20;
	s15 =	simm.s32 $0x10;
	s16 =	simm.s32 $0x0  }
0x6: {  	s5 =	sand.u32 $0x1, s1;
	s1 =	rddreg [dreg:$0x3];
	s8 =	smul.u32 $0xA00, s0  }
0x7: {  	s6 =	sshll.u32 s0, $0x1;
	[smem:$0x7FF] =	sst s3;
	s10 =	smul.u32 $0x500, s0  }
0x8: {  	s30 =	sshll.u32 s0, $0x6;
	s6 =	sor.u32 s5, s6;
	_ =	strace $0x80000047  }
0x9: {  	s9 =	ssub.s32 $0x2, s5;
	s5 =	sshll.u32 s5, $0x7;
	s6 =	smul.u32 $0xA80, s6  }
0xa: {  	s11 =	sshrl.u32 s9, $0x1;
	s8 =	sshrl.u32 s8, $0x2;
	s5 =	sor.u32 s5, s10  }
0xb: {  	s10 =	simm.s32 $0x2;
	s9 =	ssub.s32 s9, s11;
	s29 =	sadd.s32 s8, s2  }
0xc: {  	s31 =	sshrl.u32 s5, $0x3;
	s5 =	sor.u32 $0x1C02, s30;
	s11 =	simm.s32 $0x78  }
0xd: {  	s6 =	sadd.s32 s6, s4;
	s4 =	sadd.s32 $0x17400, s4;
	s7 =	sadd.s32 s7, s31  }
0xe: {  	v0 =	vimm.f32 $1.000000000e+00;
	s8 =	smax.u32 s9, $0x1;
	s9 =	sshrl.u32 s29, $0x3;
	s6 =	sadd.s32 $0x2400, s6  }
.LBB2_1:
0xf: {  	[spmem:s9], [sflag:s5] =	dma.local [hbm:s4], $0x50  }
0x10: {  	_ =	swait.ge [sflag:s10], $0x50  }
0x11: {  	[sflag:s10] =	ssyncset.done $0x0  }
0x12: {  	[sflag:s10] =	ssyncadd.s32 $0xFFFFFFB0  }
0x13: {  	[tilespmem:s3], [sflag:$0x2] =	stream.linear.gather [hbm4b:s6+s3], $0x5400, $0x38;
	[tilespmem:$0x5700] =	vst v63  }
0x14: {  	_ =	swait.ge [sflag:s10], $0x5400  }
0x15: {  	[sflag:s10] =	ssyncset.done $0x0  }
0x16: {  	[sflag:s10] =	ssyncadd.s32 $0xFFFFAC00  }
0x17: {  	[tilespmem:$0x5400] =	vst v0  }
0x18: {  	[tilespmem:$0x5410] =	vst v0  }
0x19: {  	[tilespmem:$0x5420] =	vst v0  }
0x1a: {  	[tilespmem:$0x5430] =	vst v0  }
0x1b: {  	[tilespmem:$0x5440] =	vst v0  }
0x1c: {  	[tilespmem:$0x5450] =	vst v0  }
0x1d: {  	[tilespmem:$0x5460] =	vst v0  }
0x1e: {  	[tilespmem:$0x5470] =	vst v0  }
0x1f: {  	s17 =	simm.s32 $0x200;
	[bflag:$0x0] =	sbarrier.arrive $0xFFFF  }
.LBB2_2:
0x20: {  	p0 =	sne.s32 s17, $0x14E00  }
.Ltmp0:
0x21: {  	_ = 	snop;
	(pc) =	sbr.rel @p0 .LBB2_2-.Ltmp0, $3  }
0x22: {  	_ =	sdelay $0x1  }
0x23: {  	s18 =	sshra.s32 s17, $0x2;
	s17 =	sadd.s32 $0x400, s17  }
0x24: {  	[spmem:s2] =	stream.indirect.scatter.add.f32 [tilespmem:s12], [sflag:$0x1], $0x1, s18, s11, $0xb8;
	[tilespmem:$0x5700] =	vst v63  }
0x25: {  	_ =	swait.ge [sflag:s13], $0x78  }
0x26: {  	s17 =	simm.s32 $0x53;
	[sflag:s13] =	ssyncset.done $0x0  }
.LBB2_4:
0x27: {  	p0 =	sne.s32 s17, $0x1;
	s17 =	sadd.s32 $0xFFFFFFFF, s17;
	[sflag:s13] =	ssyncadd.s32 $0xFFFFFF88  }
.Ltmp1:
0x28: {  	(pc) =	sbr.rel @p0 .LBB2_4-.Ltmp1, $3  }
0x29: {  	_ =	sdelay $0x1  }
0x2a: {  	_ =	swait.ge [sflag:s13], $0x78  }
0x2b: {  	[sflag:s13] =	ssyncset.done $0x0  }
0x2c: {  	s16 =	sadd.s32 $0x1, s16  }
0x2d: {  	[sflag:s13] =	ssyncadd.s32 $0xFFFFFF88;
	p0 =	sne.s32 s16, s8  }
.Ltmp2:
0x2e: {  	[bflag:$0x0] =	sbarrier.arrive $0xFFFF;
	(pc) =	sbr.rel @p0 .LBB2_1-.Ltmp2, $4  }
0x2f: {  	[hbm:s7@s14], [sflag:s5] =	dma.strided [spmem:s9@s15], $0x50, s13, $0x10   }
0x30: {  	_ =	swait.ge [sflag:s10], $0x50  }
0x31: {  	[sflag:s10] =	ssyncset.done $0x0  }
0x32: {  	[sflag:s10] =	ssyncadd.s32 $0xFFFFFFB0  }
0x33: {  	_ =	sfence.sel $0x180000  }
0x34: {  	[bflag:$0x0] =	sbarrier.arrive $0xFFFF  }
0x35: {  	p0 =	sne.s32 s0, $0x0;
	_ =	strace $0x90000047  }
0x36: {  	s0 =	sadd.s32 @!p0 $0x100000, s1;
	[bflag:$0x2] =	sbarrier.arrive $0xFFFF  }
0x37: {  	[sflag:s0] =	ssyncadd.tile.s32 @!p0 $0x1;
	_ =	shalt  }
.Lfunc_end2:
_tile_overlayer_lowered:
.L_overlay_start_2:
0x38: {  	(tag) =	ssettag $0x2  }
0x39: {  	s0 =	rddreg [dreg:$0x0];
	s2 =	stileid.u32  }
0x3a: {  	s1 =	rddreg [dreg:$0x1];
	p0 =	sne.s32 s2, $0x0  }
0x3b: {  	s3 =	rddreg [dreg:$0x2];
	[bflag:$0x3] =	sbarrier.arrive $0xFFFF;
	s2 =	simm.s32 @!p0 $0x1C02  }
0x3c: {  	[timem:s3], [sflag:s2] =	dma.local @!p0 [hbm:s0], s1  }
0x3d: {  	s0 =	simm.s32 @!p0 $0x2  }
0x3e: {  	_ =	swait.ge @!p0 [sflag:s0], s1  }
0x3f: {  	s1 =	ssub.s32 @!p0 $0x0, s1;
	[sflag:s0] =	ssyncset.done @!p0 $0x0  }
0x40: {  	[sflag:s0] =	ssyncadd.s32 @!p0 s1  }
0x41: {  	[bflag:$0x3] =	sbarrier.arrive $0xFFFF  }
0x42: {  	_ =	shalt  }

</sc_bundles>
